<compile_context>
chip_gen: v7x
topology: tpu7x:2x2x1
jax: 0.10.2.dev20260603
libtpu: 0.0.44.dev20260713+nightly
codegen_flags: <defaults>
</compile_context>

<pallas_src>
import functools

import jax
import jax.numpy as jnp
from jax import lax
from jax.experimental import pallas as pl
from jax.experimental.pallas import tpu as pltpu
from jax.experimental.pallas import tpu_sc as plsc

_B = 16384
_V = 8192
_D = 1024
_NC = 2
_NS = 16
_NW = _NC * _NS
_BPW = _B // _NW
_NBUF = 2
_SIZES = [8] + [56] * 8 + [48] + [8]
assert sum(_SIZES) == _BPW
_CMAX = max(_SIZES)
_CHUNKS = []
_off = 0
for _c in _SIZES:
    _CHUNKS.append((_off, _c))
    _off += _c
_NCHUNK = len(_CHUNKS)


def _sc_gather(table, t):
    mesh = plsc.VectorSubcoreMesh(
        core_axis_name="c", subcore_axis_name="s",
        num_cores=_NC, num_subcores=_NS,
    )

    @functools.partial(
        pl.kernel,
        out_type=jax.ShapeDtypeStruct((_B, _D), jnp.float32),
        mesh=mesh,
        scratch_types=[
            pltpu.VMEM((_BPW,), jnp.int32),
            pltpu.VMEM((_NBUF, _CMAX, _D), jnp.float32),
            pltpu.SemaphoreType.DMA,
            pltpu.SemaphoreType.DMA,
        ],
    )
    def body(table_hbm, t_hbm, out_hbm, idx_v, rows_v, sem_r, sem_w):
        wid = lax.axis_index("s") * _NC + lax.axis_index("c")
        base = wid * _BPW
        pltpu.sync_copy(t_hbm.at[pl.ds(base, _BPW)], idx_v)

        def gather(g, buf):
            off, c = _CHUNKS[g]
            return pltpu.make_async_copy(
                table_hbm.at[idx_v.at[pl.ds(off, c)]],
                rows_v.at[buf, pl.ds(0, c)],
                sem_r,
            )

        def write(g, buf):
            off, c = _CHUNKS[g]
            return pltpu.make_async_copy(
                rows_v.at[buf, pl.ds(0, c)],
                out_hbm.at[pl.ds(base + off, c)],
                sem_w,
            )

        for g in range(_NBUF - 1):
            gather(g, g % _NBUF).start()
        for g in range(_NCHUNK):
            buf = g % _NBUF
            nxt = g + _NBUF - 1
            if nxt < _NCHUNK:
                if g >= 1:
                    write(g - 1, (g - 1) % _NBUF).wait()
                gather(nxt, nxt % _NBUF).start()
            gather(g, buf).wait()
            write(g, buf).start()
        for g in range(_NCHUNK - _NBUF, _NCHUNK):
            write(g, g % _NBUF).wait()

    return body(table, t)


def kernel(t, pos_embeddings):
    return _sc_gather(pos_embeddings, t.astype(jnp.int32))

# --- scband reference (transcript-rebuilt; emitter-appended) ---
"""Pipeline reference for scband-positional-encoding-72413148610670 (READ-ONLY COPY).

The authoritative reference and input builder live on the scoring server;
editing this copy changes nothing except your own understanding.
"""

import jax, jax.numpy as jnp
import numpy as np

MAX_TIME_STEPS = 8192
EMBEDDING_SIZE = 1024
N_SCALAR = 10000


def _build_pos_embeddings(max_time_steps, embedding_size, n):
    i = jnp.arange(embedding_size // 2)
    k = jnp.arange(max_time_steps)[:, None].astype(jnp.float32)
    denom = jnp.power(float(n), (2.0 * i.astype(jnp.float32)) / float(embedding_size))
    angle = k / denom  # [max_time_steps, embedding_size//2]
    table = jnp.zeros((max_time_steps, embedding_size), dtype=jnp.float32)
    table = table.at[:, 0::2].set(jnp.sin(angle))
    table = table.at[:, 1::2].set(jnp.cos(angle))
    return table


def setup_inputs(seed: int = 0) -> dict:
    key = jax.random.key(seed)
    t = jax.random.randint(jax.random.fold_in(key, 0), (16384,), 0, MAX_TIME_STEPS)
    pos_embeddings = _build_pos_embeddings(MAX_TIME_STEPS, EMBEDDING_SIZE, N_SCALAR)
    return {"t": t, "pos_embeddings": pos_embeddings}


def reference(t, pos_embeddings):
    # Faithful translation of PositionalEncoding.forward: gather rows of the
    # precomputed sinusoidal table at time steps t.
    return jnp.take(pos_embeddings, t, axis=0)

if __name__ == "__main__":
    import jax
    _d = setup_inputs()
    print(jax.jit(kernel)(*tuple(_d.values())))

</pallas_src>

<mosaic_0001>
#map = affine_map<(d0, d1) -> (0, 0)>
#map1 = affine_map<(d0, d1) -> (0)>
module attributes {stable_mosaic.version = 14 : i64} {
  func.func @body(%arg0: i32, %arg1: i32, %arg2: memref<8192x1024xf32, #tpu.memory_space<hbm>>, %arg3: memref<16384xi32, #tpu.memory_space<hbm>>, %arg4: memref<16384x1024xf32, #tpu.memory_space<hbm>>, %arg5: memref<512xi32, #tpu.memory_space<vmem>>, %arg6: memref<2x56x1024xf32, #tpu.memory_space<vmem>>, %arg7: memref<!tpu.dma_semaphore, #tpu.memory_space<semaphore_mem>>, %arg8: memref<!tpu.dma_semaphore, #tpu.memory_space<semaphore_mem>>) attributes {dimension_semantics = [#tpu.dimension_semantics<core_parallel>, #tpu.dimension_semantics<subcore_parallel>], iteration_bounds = array<i64: 2, 16>, scalar_prefetch = 0 : i64, scratch_operands = 4 : i64, tpu.core_type = #tpu.core_type<sc_vector_subcore>, window_params = [{transform_indices = #map}, {transform_indices = #map1}, {transform_indices = #map}]} {
    %mul3A = arith.constant 2 : i32
    %mul3A_0 = arith.muli %arg1, %mul3A : i32
    %add3A = arith.addi %mul3A_0, %arg0 : i32
    %mul3A_1 = arith.constant 512 : i32
    %mul3A_2 = arith.muli %add3A, %mul3A_1 : i32
    "tpu.region"() ({
      %run_scoped3A = tpu.sem_alloc : memref<!tpu.dma_semaphore, #tpu.memory_space<semaphore_mem>>
      %dma_start3A_551 = tpu.memref_slice %arg3[%mul3A_2] : memref<16384xi32, #tpu.memory_space<hbm>> -> memref<512xi32, #tpu.memory_space<hbm>>
      %dma_start3A_552 = tpu.memref_slice %arg3[%mul3A_2] : memref<16384xi32, #tpu.memory_space<hbm>> -> memref<512xi32, #tpu.memory_space<hbm>>
      tpu.enqueue_dma source(%dma_start3A_552 : memref<512xi32, #tpu.memory_space<hbm>>) target(%arg5 : memref<512xi32, #tpu.memory_space<vmem>>) target_semaphore(%run_scoped3A : memref<!tpu.dma_semaphore, #tpu.memory_space<semaphore_mem>>)
      %dma_wait3A_553 = tpu.memref_slice %arg3[%mul3A_2] : memref<16384xi32, #tpu.memory_space<hbm>> -> memref<512xi32, #tpu.memory_space<hbm>>
      %dma_wait3A_554 = tpu.memref_slice %arg3[%mul3A_2] : memref<16384xi32, #tpu.memory_space<hbm>> -> memref<512xi32, #tpu.memory_space<hbm>>
      tpu.wait_dma2 semaphore(%run_scoped3A : memref<!tpu.dma_semaphore, #tpu.memory_space<semaphore_mem>>) src(%dma_wait3A_554 : memref<512xi32, #tpu.memory_space<hbm>>) dst(%arg5 : memref<512xi32, #tpu.memory_space<vmem>>)
      tpu.yield
    }) : () -> ()
    %dma_start3A = arith.constant 0 : i32
    %dma_start3A_3 = arith.constant 0 : i32
    %dma_start3A_4 = arith.constant 0 : i32
    %dma_start3A_5 = tpu.memref_slice %arg6[%dma_start3A, %dma_start3A_3, %dma_start3A_4] : memref<2x56x1024xf32, #tpu.memory_space<vmem>> -> memref<1x8x1024xf32, #tpu.memory_space<vmem>>
    %dma_start3A_6 = tpu.memref_squeeze %dma_start3A_5 : memref<1x8x1024xf32, #tpu.memory_space<vmem>> -> memref<8x1024xf32, #tpu.memory_space<vmem>>
    %dma_start3A_7 = arith.constant 0 : i32
    %dma_start3A_8 = tpu.memref_slice %arg5[%dma_start3A_7] : memref<512xi32, #tpu.memory_space<vmem>> -> memref<8xi32, #tpu.memory_space<vmem>>
    %dma_start3A_9 = arith.constant 0 : i32
    %dma_start3A_10 = arith.constant 0 : i32
    %dma_start3A_11 = tpu.memref_slice %arg2[%dma_start3A_9, %dma_start3A_10] : memref<8192x1024xf32, #tpu.memory_space<hbm>> -> memref<8192x1024xf32, #tpu.memory_space<hbm>>
    tpu.enqueue_indirect_dma source(%dma_start3A_11 : memref<8192x1024xf32, #tpu.memory_space<hbm>>) target(%dma_start3A_6 : memref<8x1024xf32, #tpu.memory_space<vmem>>) offsets(%dma_start3A_8 : memref<8xi32, #tpu.memory_space<vmem>>) semaphore(%arg7 : memref<!tpu.dma_semaphore, #tpu.memory_space<semaphore_mem>>)
    %dma_start3A_12 = arith.constant 1 : i32
    %dma_start3A_13 = arith.constant 0 : i32
    %dma_start3A_14 = arith.constant 0 : i32
    %dma_start3A_15 = tpu.memref_slice %arg6[%dma_start3A_12, %dma_start3A_13, %dma_start3A_14] : memref<2x56x1024xf32, #tpu.memory_space<vmem>> -> memref<1x56x1024xf32, #tpu.memory_space<vmem>>
    %dma_start3A_16 = tpu.memref_squeeze %dma_start3A_15 : memref<1x56x1024xf32, #tpu.memory_space<vmem>> -> memref<56x1024xf32, #tpu.memory_space<vmem>>
    %dma_start3A_17 = arith.constant 8 : i32
    %dma_start3A_18 = tpu.memref_slice %arg5[%dma_start3A_17] : memref<512xi32, #tpu.memory_space<vmem>> -> memref<56xi32, #tpu.memory_space<vmem>>
    %dma_start3A_19 = arith.constant 0 : i32
    %dma_start3A_20 = arith.constant 0 : i32
    %dma_start3A_21 = tpu.memref_slice %arg2[%dma_start3A_19, %dma_start3A_20] : memref<8192x1024xf32, #tpu.memory_space<hbm>> -> memref<8192x1024xf32, #tpu.memory_space<hbm>>
    tpu.enqueue_indirect_dma source(%dma_start3A_21 : memref<8192x1024xf32, #tpu.memory_space<hbm>>) target(%dma_start3A_16 : memref<56x1024xf32, #tpu.memory_space<vmem>>) offsets(%dma_start3A_18 : memref<56xi32, #tpu.memory_space<vmem>>) semaphore(%arg7 : memref<!tpu.dma_semaphore, #tpu.memory_space<semaphore_mem>>)
    %dma_wait3A = arith.constant 0 : i32
    %dma_wait3A_22 = arith.constant 0 : i32
    %dma_wait3A_23 = arith.constant 0 : i32
    %dma_wait3A_24 = tpu.memref_slice %arg6[%dma_wait3A, %dma_wait3A_22, %dma_wait3A_23] : memref<2x56x1024xf32, #tpu.memory_space<vmem>> -> memref<1x8x1024xf32, #tpu.memory_space<vmem>>
    %dma_wait3A_25 = tpu.memref_squeeze %dma_wait3A_24 : memref<1x8x1024xf32, #tpu.memory_space<vmem>> -> memref<8x1024xf32, #tpu.memory_space<vmem>>
    %dma_wait3A_26 = arith.constant 0 : i32
    %dma_wait3A_27 = tpu.memref_slice %arg5[%dma_wait3A_26] : memref<512xi32, #tpu.memory_space<vmem>> -> memref<8xi32, #tpu.memory_space<vmem>>
    %dma_wait3A_28 = arith.constant 0 : i32
    %dma_wait3A_29 = arith.constant 0 : i32
    %dma_wait3A_30 = tpu.memref_slice %arg2[%dma_wait3A_28, %dma_wait3A_29] : memref<8192x1024xf32, #tpu.memory_space<hbm>> -> memref<8192x1024xf32, #tpu.memory_space<hbm>>
    tpu.wait_indirect_dma semaphore(%arg7 : memref<!tpu.dma_semaphore, #tpu.memory_space<semaphore_mem>>) src(%dma_wait3A_30 : memref<8192x1024xf32, #tpu.memory_space<hbm>>) dst(%dma_wait3A_25 : memref<8x1024xf32, #tpu.memory_space<vmem>>)
    %add3A_31 = arith.constant 0 : i32
    %add3A_32 = arith.addi %mul3A_2, %add3A_31 : i32
    %dma_start3A_33 = arith.constant 0 : i32
    %dma_start3A_34 = arith.constant 0 : i32
    %dma_start3A_35 = arith.constant 0 : i32
    %dma_start3A_36 = tpu.memref_slice %arg6[%dma_start3A_33, %dma_start3A_34, %dma_start3A_35] : memref<2x56x1024xf32, #tpu.memory_space<vmem>> -> memref<1x8x1024xf32, #tpu.memory_space<vmem>>
    %dma_start3A_37 = tpu.memref_squeeze %dma_start3A_36 : memref<1x8x1024xf32, #tpu.memory_space<vmem>> -> memref<8x1024xf32, #tpu.memory_space<vmem>>
    %dma_start3A_38 = arith.constant 0 : i32
    %dma_start3A_39 = tpu.memref_slice %arg4[%add3A_32, %dma_start3A_38] : memref<16384x1024xf32, #tpu.memory_space<hbm>> -> memref<8x1024xf32, #tpu.memory_space<hbm>>
    %dma_start3A_40 = arith.constant 0 : i32
    %dma_start3A_41 = tpu.memref_slice %arg4[%add3A_32, %dma_start3A_40] : memref<16384x1024xf32, #tpu.memory_space<hbm>> -> memref<8x1024xf32, #tpu.memory_space<hbm>>
    %dma_start3A_42 = arith.constant 0 : i32
    %dma_start3A_43 = arith.constant 0 : i32
    %dma_start3A_44 = tpu.memref_slice %arg6[%dma_start3A_33, %dma_start3A_42, %dma_start3A_43] : memref<2x56x1024xf32, #tpu.memory_space<vmem>> -> memref<1x8x1024xf32, #tpu.memory_space<vmem>>
    %dma_start3A_45 = tpu.memref_squeeze %dma_start3A_44 : memref<1x8x1024xf32, #tpu.memory_space<vmem>> -> memref<8x1024xf32, #tpu.memory_space<vmem>>
    tpu.enqueue_dma source(%dma_start3A_45 : memref<8x1024xf32, #tpu.memory_space<vmem>>) target(%dma_start3A_41 : memref<8x1024xf32, #tpu.memory_space<hbm>>) target_semaphore(%arg8 : memref<!tpu.dma_semaphore, #tpu.memory_space<semaphore_mem>>)
    %add3A_46 = arith.constant 0 : i32
    %add3A_47 = arith.addi %mul3A_2, %add3A_46 : i32
    %dma_wait3A_48 = arith.constant 0 : i32
    %dma_wait3A_49 = arith.constant 0 : i32
    %dma_wait3A_50 = arith.constant 0 : i32
    %dma_wait3A_51 = tpu.memref_slice %arg6[%dma_wait3A_48, %dma_wait3A_49, %dma_wait3A_50] : memref<2x56x1024xf32, #tpu.memory_space<vmem>> -> memref<1x8x1024xf32, #tpu.memory_space<vmem>>
    %dma_wait3A_52 = tpu.memref_squeeze %dma_wait3A_51 : memref<1x8x1024xf32, #tpu.memory_space<vmem>> -> memref<8x1024xf32, #tpu.memory_space<vmem>>
    %dma_wait3A_53 = arith.constant 0 : i32
    %dma_wait3A_54 = tpu.memref_slice %arg4[%add3A_47, %dma_wait3A_53] : memref<16384x1024xf32, #tpu.memory_space<hbm>> -> memref<8x1024xf32, #tpu.memory_space<hbm>>
    %dma_wait3A_55 = arith.constant 0 : i32
    %dma_wait3A_56 = tpu.memref_slice %arg4[%add3A_47, %dma_wait3A_55] : memref<16384x1024xf32, #tpu.memory_space<hbm>> -> memref<8x1024xf32, #tpu.memory_space<hbm>>
    %dma_wait3A_57 = arith.constant 0 : i32
    %dma_wait3A_58 = arith.constant 0 : i32
    %dma_wait3A_59 = tpu.memref_slice %arg6[%dma_wait3A_48, %dma_wait3A_57, %dma_wait3A_58] : memref<2x56x1024xf32, #tpu.memory_space<vmem>> -> memref<1x8x1024xf32, #tpu.memory_space<vmem>>
    %dma_wait3A_60 = tpu.memref_squeeze %dma_wait3A_59 : memref<1x8x1024xf32, #tpu.memory_space<vmem>> -> memref<8x1024xf32, #tpu.memory_space<vmem>>
    tpu.wait_dma2 semaphore(%arg8 : memref<!tpu.dma_semaphore, #tpu.memory_space<semaphore_mem>>) src(%dma_wait3A_60 : memref<8x1024xf32, #tpu.memory_space<vmem>>) dst(%dma_wait3A_56 : memref<8x1024xf32, #tpu.memory_space<hbm>>)
    %dma_start3A_61 = arith.constant 0 : i32
    %dma_start3A_62 = arith.constant 0 : i32
    %dma_start3A_63 = arith.constant 0 : i32
    %dma_start3A_64 = tpu.memref_slice %arg6[%dma_start3A_61, %dma_start3A_62, %dma_start3A_63] : memref<2x56x1024xf32, #tpu.memory_space<vmem>> -> memref<1x56x1024xf32, #tpu.memory_space<vmem>>
    %dma_start3A_65 = tpu.memref_squeeze %dma_start3A_64 : memref<1x56x1024xf32, #tpu.memory_space<vmem>> -> memref<56x1024xf32, #tpu.memory_space<vmem>>
    %dma_start3A_66 = arith.constant 64 : i32
    %dma_start3A_67 = tpu.memref_slice %arg5[%dma_start3A_66] : memref<512xi32, #tpu.memory_space<vmem>> -> memref<56xi32, #tpu.memory_space<vmem>>
    %dma_start3A_68 = arith.constant 0 : i32
    %dma_start3A_69 = arith.constant 0 : i32
    %dma_start3A_70 = tpu.memref_slice %arg2[%dma_start3A_68, %dma_start3A_69] : memref<8192x1024xf32, #tpu.memory_space<hbm>> -> memref<8192x1024xf32, #tpu.memory_space<hbm>>
    tpu.enqueue_indirect_dma source(%dma_start3A_70 : memref<8192x1024xf32, #tpu.memory_space<hbm>>) target(%dma_start3A_65 : memref<56x1024xf32, #tpu.memory_space<vmem>>) offsets(%dma_start3A_67 : memref<56xi32, #tpu.memory_space<vmem>>) semaphore(%arg7 : memref<!tpu.dma_semaphore, #tpu.memory_space<semaphore_mem>>)
    %dma_wait3A_71 = arith.constant 1 : i32
    %dma_wait3A_72 = arith.constant 0 : i32
    %dma_wait3A_73 = arith.constant 0 : i32
    %dma_wait3A_74 = tpu.memref_slice %arg6[%dma_wait3A_71, %dma_wait3A_72, %dma_wait3A_73] : memref<2x56x1024xf32, #tpu.memory_space<vmem>> -> memref<1x56x1024xf32, #tpu.memory_space<vmem>>
    %dma_wait3A_75 = tpu.memref_squeeze %dma_wait3A_74 : memref<1x56x1024xf32, #tpu.memory_space<vmem>> -> memref<56x1024xf32, #tpu.memory_space<vmem>>
    %dma_wait3A_76 = arith.constant 8 : i32
    %dma_wait3A_77 = tpu.memref_slice %arg5[%dma_wait3A_76] : memref<512xi32, #tpu.memory_space<vmem>> -> memref<56xi32, #tpu.memory_space<vmem>>
    %dma_wait3A_78 = arith.constant 0 : i32
    %dma_wait3A_79 = arith.constant 0 : i32
    %dma_wait3A_80 = tpu.memref_slice %arg2[%dma_wait3A_78, %dma_wait3A_79] : memref<8192x1024xf32, #tpu.memory_space<hbm>> -> memref<8192x1024xf32, #tpu.memory_space<hbm>>
    tpu.wait_indirect_dma semaphore(%arg7 : memref<!tpu.dma_semaphore, #tpu.memory_space<semaphore_mem>>) src(%dma_wait3A_80 : memref<8192x1024xf32, #tpu.memory_space<hbm>>) dst(%dma_wait3A_75 : memref<56x1024xf32, #tpu.memory_space<vmem>>)
    %add3A_81 = arith.constant 8 : i32
    %add3A_82 = arith.addi %mul3A_2, %add3A_81 : i32
    %dma_start3A_83 = arith.constant 1 : i32
    %dma_start3A_84 = arith.constant 0 : i32
    %dma_start3A_85 = arith.constant 0 : i32
    %dma_start3A_86 = tpu.memref_slice %arg6[%dma_start3A_83, %dma_start3A_84, %dma_start3A_85] : memref<2x56x1024xf32, #tpu.memory_space<vmem>> -> memref<1x56x1024xf32, #tpu.memory_space<vmem>>
    %dma_start3A_87 = tpu.memref_squeeze %dma_start3A_86 : memref<1x56x1024xf32, #tpu.memory_space<vmem>> -> memref<56x1024xf32, #tpu.memory_space<vmem>>
    %dma_start3A_88 = arith.constant 0 : i32
    %dma_start3A_89 = tpu.memref_slice %arg4[%add3A_82, %dma_start3A_88] : memref<16384x1024xf32, #tpu.memory_space<hbm>> -> memref<56x1024xf32, #tpu.memory_space<hbm>>
    %dma_start3A_90 = arith.constant 0 : i32
    %dma_start3A_91 = tpu.memref_slice %arg4[%add3A_82, %dma_start3A_90] : memref<16384x1024xf32, #tpu.memory_space<hbm>> -> memref<56x1024xf32, #tpu.memory_space<hbm>>
    %dma_start3A_92 = arith.constant 0 : i32
    %dma_start3A_93 = arith.constant 0 : i32
    %dma_start3A_94 = tpu.memref_slice %arg6[%dma_start3A_83, %dma_start3A_92, %dma_start3A_93] : memref<2x56x1024xf32, #tpu.memory_space<vmem>> -> memref<1x56x1024xf32, #tpu.memory_space<vmem>>
    %dma_start3A_95 = tpu.memref_squeeze %dma_start3A_94 : memref<1x56x1024xf32, #tpu.memory_space<vmem>> -> memref<56x1024xf32, #tpu.memory_space<vmem>>
    tpu.enqueue_dma source(%dma_start3A_95 : memref<56x1024xf32, #tpu.memory_space<vmem>>) target(%dma_start3A_91 : memref<56x1024xf32, #tpu.memory_space<hbm>>) target_semaphore(%arg8 : memref<!tpu.dma_semaphore, #tpu.memory_space<semaphore_mem>>)
    %add3A_96 = arith.constant 8 : i32
    %add3A_97 = arith.addi %mul3A_2, %add3A_96 : i32
    %dma_wait3A_98 = arith.constant 1 : i32
    %dma_wait3A_99 = arith.constant 0 : i32
    %dma_wait3A_100 = arith.constant 0 : i32
    %dma_wait3A_101 = tpu.memref_slice %arg6[%dma_wait3A_98, %dma_wait3A_99, %dma_wait3A_100] : memref<2x56x1024xf32, #tpu.memory_space<vmem>> -> memref<1x56x1024xf32, #tpu.memory_space<vmem>>
    %dma_wait3A_102 = tpu.memref_squeeze %dma_wait3A_101 : memref<1x56x1024xf32, #tpu.memory_space<vmem>> -> memref<56x1024xf32, #tpu.memory_space<vmem>>
    %dma_wait3A_103 = arith.constant 0 : i32
    %dma_wait3A_104 = tpu.memref_slice %arg4[%add3A_97, %dma_wait3A_103] : memref<16384x1024xf32, #tpu.memory_space<hbm>> -> memref<56x1024xf32, #tpu.memory_space<hbm>>
    %dma_wait3A_105 = arith.constant 0 : i32
    %dma_wait3A_106 = tpu.memref_slice %arg4[%add3A_97, %dma_wait3A_105] : memref<16384x1024xf32, #tpu.memory_space<hbm>> -> memref<56x1024xf32, #tpu.memory_space<hbm>>
    %dma_wait3A_107 = arith.constant 0 : i32
    %dma_wait3A_108 = arith.constant 0 : i32
    %dma_wait3A_109 = tpu.memref_slice %arg6[%dma_wait3A_98, %dma_wait3A_107, %dma_wait3A_108] : memref<2x56x1024xf32, #tpu.memory_space<vmem>> -> memref<1x56x1024xf32, #tpu.memory_space<vmem>>
    %dma_wait3A_110 = tpu.memref_squeeze %dma_wait3A_109 : memref<1x56x1024xf32, #tpu.memory_space<vmem>> -> memref<56x1024xf32, #tpu.memory_space<vmem>>
    tpu.wait_dma2 semaphore(%arg8 : memref<!tpu.dma_semaphore, #tpu.memory_space<semaphore_mem>>) src(%dma_wait3A_110 : memref<56x1024xf32, #tpu.memory_space<vmem>>) dst(%dma_wait3A_106 : memref<56x1024xf32, #tpu.memory_space<hbm>>)
    %dma_start3A_111 = arith.constant 1 : i32
    %dma_start3A_112 = arith.constant 0 : i32
    %dma_start3A_113 = arith.constant 0 : i32
    %dma_start3A_114 = tpu.memref_slice %arg6[%dma_start3A_111, %dma_start3A_112, %dma_start3A_113] : memref<2x56x1024xf32, #tpu.memory_space<vmem>> -> memref<1x56x1024xf32, #tpu.memory_space<vmem>>
    %dma_start3A_115 = tpu.memref_squeeze %dma_start3A_114 : memref<1x56x1024xf32, #tpu.memory_space<vmem>> -> memref<56x1024xf32, #tpu.memory_space<vmem>>
    %dma_start3A_116 = arith.constant 120 : i32
    %dma_start3A_117 = tpu.memref_slice %arg5[%dma_start3A_116] : memref<512xi32, #tpu.memory_space<vmem>> -> memref<56xi32, #tpu.memory_space<vmem>>
    %dma_start3A_118 = arith.constant 0 : i32
    %dma_start3A_119 = arith.constant 0 : i32
    %dma_start3A_120 = tpu.memref_slice %arg2[%dma_start3A_118, %dma_start3A_119] : memref<8192x1024xf32, #tpu.memory_space<hbm>> -> memref<8192x1024xf32, #tpu.memory_space<hbm>>
    tpu.enqueue_indirect_dma source(%dma_start3A_120 : memref<8192x1024xf32, #tpu.memory_space<hbm>>) target(%dma_start3A_115 : memref<56x1024xf32, #tpu.memory_space<vmem>>) offsets(%dma_start3A_117 : memref<56xi32, #tpu.memory_space<vmem>>) semaphore(%arg7 : memref<!tpu.dma_semaphore, #tpu.memory_space<semaphore_mem>>)
    %dma_wait3A_121 = arith.constant 0 : i32
    %dma_wait3A_122 = arith.constant 0 : i32
    %dma_wait3A_123 = arith.constant 0 : i32
    %dma_wait3A_124 = tpu.memref_slice %arg6[%dma_wait3A_121, %dma_wait3A_122, %dma_wait3A_123] : memref<2x56x1024xf32, #tpu.memory_space<vmem>> -> memref<1x56x1024xf32, #tpu.memory_space<vmem>>
    %dma_wait3A_125 = tpu.memref_squeeze %dma_wait3A_124 : memref<1x56x1024xf32, #tpu.memory_space<vmem>> -> memref<56x1024xf32, #tpu.memory_space<vmem>>
    %dma_wait3A_126 = arith.constant 64 : i32
    %dma_wait3A_127 = tpu.memref_slice %arg5[%dma_wait3A_126] : memref<512xi32, #tpu.memory_space<vmem>> -> memref<56xi32, #tpu.memory_space<vmem>>
    %dma_wait3A_128 = arith.constant 0 : i32
    %dma_wait3A_129 = arith.constant 0 : i32
    %dma_wait3A_130 = tpu.memref_slice %arg2[%dma_wait3A_128, %dma_wait3A_129] : memref<8192x1024xf32, #tpu.memory_space<hbm>> -> memref<8192x1024xf32, #tpu.memory_space<hbm>>
    tpu.wait_indirect_dma semaphore(%arg7 : memref<!tpu.dma_semaphore, #tpu.memory_space<semaphore_mem>>) src(%dma_wait3A_130 : memref<8192x1024xf32, #tpu.memory_space<hbm>>) dst(%dma_wait3A_125 : memref<56x1024xf32, #tpu.memory_space<vmem>>)
    %add3A_131 = arith.constant 64 : i32
    %add3A_132 = arith.addi %mul3A_2, %add3A_131 : i32
    %dma_start3A_133 = arith.constant 0 : i32
    %dma_start3A_134 = arith.constant 0 : i32
    %dma_start3A_135 = arith.constant 0 : i32
    %dma_start3A_136 = tpu.memref_slice %arg6[%dma_start3A_133, %dma_start3A_134, %dma_start3A_135] : memref<2x56x1024xf32, #tpu.memory_space<vmem>> -> memref<1x56x1024xf32, #tpu.memory_space<vmem>>
    %dma_start3A_137 = tpu.memref_squeeze %dma_start3A_136 : memref<1x56x1024xf32, #tpu.memory_space<vmem>> -> memref<56x1024xf32, #tpu.memory_space<vmem>>
    %dma_start3A_138 = arith.constant 0 : i32
    %dma_start3A_139 = tpu.memref_slice %arg4[%add3A_132, %dma_start3A_138] : memref<16384x1024xf32, #tpu.memory_space<hbm>> -> memref<56x1024xf32, #tpu.memory_space<hbm>>
    %dma_start3A_140 = arith.constant 0 : i32
    %dma_start3A_141 = tpu.memref_slice %arg4[%add3A_132, %dma_start3A_140] : memref<16384x1024xf32, #tpu.memory_space<hbm>> -> memref<56x1024xf32, #tpu.memory_space<hbm>>
    %dma_start3A_142 = arith.constant 0 : i32
    %dma_start3A_143 = arith.constant 0 : i32
    %dma_start3A_144 = tpu.memref_slice %arg6[%dma_start3A_133, %dma_start3A_142, %dma_start3A_143] : memref<2x56x1024xf32, #tpu.memory_space<vmem>> -> memref<1x56x1024xf32, #tpu.memory_space<vmem>>
    %dma_start3A_145 = tpu.memref_squeeze %dma_start3A_144 : memref<1x56x1024xf32, #tpu.memory_space<vmem>> -> memref<56x1024xf32, #tpu.memory_space<vmem>>
    tpu.enqueue_dma source(%dma_start3A_145 : memref<56x1024xf32, #tpu.memory_space<vmem>>) target(%dma_start3A_141 : memref<56x1024xf32, #tpu.memory_space<hbm>>) target_semaphore(%arg8 : memref<!tpu.dma_semaphore, #tpu.memory_space<semaphore_mem>>)
    %add3A_146 = arith.constant 64 : i32
    %add3A_147 = arith.addi %mul3A_2, %add3A_146 : i32
    %dma_wait3A_148 = arith.constant 0 : i32
    %dma_wait3A_149 = arith.constant 0 : i32
    %dma_wait3A_150 = arith.constant 0 : i32
    %dma_wait3A_151 = tpu.memref_slice %arg6[%dma_wait3A_148, %dma_wait3A_149, %dma_wait3A_150] : memref<2x56x1024xf32, #tpu.memory_space<vmem>> -> memref<1x56x1024xf32, #tpu.memory_space<vmem>>
    %dma_wait3A_152 = tpu.memref_squeeze %dma_wait3A_151 : memref<1x56x1024xf32, #tpu.memory_space<vmem>> -> memref<56x1024xf32, #tpu.memory_space<vmem>>
    %dma_wait3A_153 = arith.constant 0 : i32
    %dma_wait3A_154 = tpu.memref_slice %arg4[%add3A_147, %dma_wait3A_153] : memref<16384x1024xf32, #tpu.memory_space<hbm>> -> memref<56x1024xf32, #tpu.memory_space<hbm>>
    %dma_wait3A_155 = arith.constant 0 : i32
    %dma_wait3A_156 = tpu.memref_slice %arg4[%add3A_147, %dma_wait3A_155] : memref<16384x1024xf32, #tpu.memory_space<hbm>> -> memref<56x1024xf32, #tpu.memory_space<hbm>>
    %dma_wait3A_157 = arith.constant 0 : i32
    %dma_wait3A_158 = arith.constant 0 : i32
    %dma_wait3A_159 = tpu.memref_slice %arg6[%dma_wait3A_148, %dma_wait3A_157, %dma_wait3A_158] : memref<2x56x1024xf32, #tpu.memory_space<vmem>> -> memref<1x56x1024xf32, #tpu.memory_space<vmem>>
    %dma_wait3A_160 = tpu.memref_squeeze %dma_wait3A_159 : memref<1x56x1024xf32, #tpu.memory_space<vmem>> -> memref<56x1024xf32, #tpu.memory_space<vmem>>
    tpu.wait_dma2 semaphore(%arg8 : memref<!tpu.dma_semaphore, #tpu.memory_space<semaphore_mem>>) src(%dma_wait3A_160 : memref<56x1024xf32, #tpu.memory_space<vmem>>) dst(%dma_wait3A_156 : memref<56x1024xf32, #tpu.memory_space<hbm>>)
    %dma_start3A_161 = arith.constant 0 : i32
    %dma_start3A_162 = arith.constant 0 : i32
    %dma_start3A_163 = arith.constant 0 : i32
    %dma_start3A_164 = tpu.memref_slice %arg6[%dma_start3A_161, %dma_start3A_162, %dma_start3A_163] : memref<2x56x1024xf32, #tpu.memory_space<vmem>> -> memref<1x56x1024xf32, #tpu.memory_space<vmem>>
    %dma_start3A_165 = tpu.memref_squeeze %dma_start3A_164 : memref<1x56x1024xf32, #tpu.memory_space<vmem>> -> memref<56x1024xf32, #tpu.memory_space<vmem>>
    %dma_start3A_166 = arith.constant 176 : i32
    %dma_start3A_167 = tpu.memref_slice %arg5[%dma_start3A_166] : memref<512xi32, #tpu.memory_space<vmem>> -> memref<56xi32, #tpu.memory_space<vmem>>
    %dma_start3A_168 = arith.constant 0 : i32
    %dma_start3A_169 = arith.constant 0 : i32
    %dma_start3A_170 = tpu.memref_slice %arg2[%dma_start3A_168, %dma_start3A_169] : memref<8192x1024xf32, #tpu.memory_space<hbm>> -> memref<8192x1024xf32, #tpu.memory_space<hbm>>
    tpu.enqueue_indirect_dma source(%dma_start3A_170 : memref<8192x1024xf32, #tpu.memory_space<hbm>>) target(%dma_start3A_165 : memref<56x1024xf32, #tpu.memory_space<vmem>>) offsets(%dma_start3A_167 : memref<56xi32, #tpu.memory_space<vmem>>) semaphore(%arg7 : memref<!tpu.dma_semaphore, #tpu.memory_space<semaphore_mem>>)
    %dma_wait3A_171 = arith.constant 1 : i32
    %dma_wait3A_172 = arith.constant 0 : i32
    %dma_wait3A_173 = arith.constant 0 : i32
    %dma_wait3A_174 = tpu.memref_slice %arg6[%dma_wait3A_171, %dma_wait3A_172, %dma_wait3A_173] : memref<2x56x1024xf32, #tpu.memory_space<vmem>> -> memref<1x56x1024xf32, #tpu.memory_space<vmem>>
    %dma_wait3A_175 = tpu.memref_squeeze %dma_wait3A_174 : memref<1x56x1024xf32, #tpu.memory_space<vmem>> -> memref<56x1024xf32, #tpu.memory_space<vmem>>
    %dma_wait3A_176 = arith.constant 120 : i32
    %dma_wait3A_177 = tpu.memref_slice %arg5[%dma_wait3A_176] : memref<512xi32, #tpu.memory_space<vmem>> -> memref<56xi32, #tpu.memory_space<vmem>>
    %dma_wait3A_178 = arith.constant 0 : i32
    %dma_wait3A_179 = arith.constant 0 : i32
    %dma_wait3A_180 = tpu.memref_slice %arg2[%dma_wait3A_178, %dma_wait3A_179] : memref<8192x1024xf32, #tpu.memory_space<hbm>> -> memref<8192x1024xf32, #tpu.memory_space<hbm>>
    tpu.wait_indirect_dma semaphore(%arg7 : memref<!tpu.dma_semaphore, #tpu.memory_space<semaphore_mem>>) src(%dma_wait3A_180 : memref<8192x1024xf32, #tpu.memory_space<hbm>>) dst(%dma_wait3A_175 : memref<56x1024xf32, #tpu.memory_space<vmem>>)
    %add3A_181 = arith.constant 120 : i32
    %add3A_182 = arith.addi %mul3A_2, %add3A_181 : i32
    %dma_start3A_183 = arith.constant 1 : i32
    %dma_start3A_184 = arith.constant 0 : i32
    %dma_start3A_185 = arith.constant 0 : i32
    %dma_start3A_186 = tpu.memref_slice %arg6[%dma_start3A_183, %dma_start3A_184, %dma_start3A_185] : memref<2x56x1024xf32, #tpu.memory_space<vmem>> -> memref<1x56x1024xf32, #tpu.memory_space<vmem>>
    %dma_start3A_187 = tpu.memref_squeeze %dma_start3A_186 : memref<1x56x1024xf32, #tpu.memory_space<vmem>> -> memref<56x1024xf32, #tpu.memory_space<vmem>>
    %dma_start3A_188 = arith.constant 0 : i32
    %dma_start3A_189 = tpu.memref_slice %arg4[%add3A_182, %dma_start3A_188] : memref<16384x1024xf32, #tpu.memory_space<hbm>> -> memref<56x1024xf32, #tpu.memory_space<hbm>>
    %dma_start3A_190 = arith.constant 0 : i32
    %dma_start3A_191 = tpu.memref_slice %arg4[%add3A_182, %dma_start3A_190] : memref<16384x1024xf32, #tpu.memory_space<hbm>> -> memref<56x1024xf32, #tpu.memory_space<hbm>>
    %dma_start3A_192 = arith.constant 0 : i32
    %dma_start3A_193 = arith.constant 0 : i32
    %dma_start3A_194 = tpu.memref_slice %arg6[%dma_start3A_183, %dma_start3A_192, %dma_start3A_193] : memref<2x56x1024xf32, #tpu.memory_space<vmem>> -> memref<1x56x1024xf32, #tpu.memory_space<vmem>>
    %dma_start3A_195 = tpu.memref_squeeze %dma_start3A_194 : memref<1x56x1024xf32, #tpu.memory_space<vmem>> -> memref<56x1024xf32, #tpu.memory_space<vmem>>
    tpu.enqueue_dma source(%dma_start3A_195 : memref<56x1024xf32, #tpu.memory_space<vmem>>) target(%dma_start3A_191 : memref<56x1024xf32, #tpu.memory_space<hbm>>) target_semaphore(%arg8 : memref<!tpu.dma_semaphore, #tpu.memory_space<semaphore_mem>>)
    %add3A_196 = arith.constant 120 : i32
    %add3A_197 = arith.addi %mul3A_2, %add3A_196 : i32
    %dma_wait3A_198 = arith.constant 1 : i32
    %dma_wait3A_199 = arith.constant 0 : i32
    %dma_wait3A_200 = arith.constant 0 : i32
    %dma_wait3A_201 = tpu.memref_slice %arg6[%dma_wait3A_198, %dma_wait3A_199, %dma_wait3A_200] : memref<2x56x1024xf32, #tpu.memory_space<vmem>> -> memref<1x56x1024xf32, #tpu.memory_space<vmem>>
    %dma_wait3A_202 = tpu.memref_squeeze %dma_wait3A_201 : memref<1x56x1024xf32, #tpu.memory_space<vmem>> -> memref<56x1024xf32, #tpu.memory_space<vmem>>
    %dma_wait3A_203 = arith.constant 0 : i32
    %dma_wait3A_204 = tpu.memref_slice %arg4[%add3A_197, %dma_wait3A_203] : memref<16384x1024xf32, #tpu.memory_space<hbm>> -> memref<56x1024xf32, #tpu.memory_space<hbm>>
    %dma_wait3A_205 = arith.constant 0 : i32
    %dma_wait3A_206 = tpu.memref_slice %arg4[%add3A_197, %dma_wait3A_205] : memref<16384x1024xf32, #tpu.memory_space<hbm>> -> memref<56x1024xf32, #tpu.memory_space<hbm>>
    %dma_wait3A_207 = arith.constant 0 : i32
    %dma_wait3A_208 = arith.constant 0 : i32
    %dma_wait3A_209 = tpu.memref_slice %arg6[%dma_wait3A_198, %dma_wait3A_207, %dma_wait3A_208] : memref<2x56x1024xf32, #tpu.memory_space<vmem>> -> memref<1x56x1024xf32, #tpu.memory_space<vmem>>
    %dma_wait3A_210 = tpu.memref_squeeze %dma_wait3A_209 : memref<1x56x1024xf32, #tpu.memory_space<vmem>> -> memref<56x1024xf32, #tpu.memory_space<vmem>>
    tpu.wait_dma2 semaphore(%arg8 : memref<!tpu.dma_semaphore, #tpu.memory_space<semaphore_mem>>) src(%dma_wait3A_210 : memref<56x1024xf32, #tpu.memory_space<vmem>>) dst(%dma_wait3A_206 : memref<56x1024xf32, #tpu.memory_space<hbm>>)
    %dma_start3A_211 = arith.constant 1 : i32
    %dma_start3A_212 = arith.constant 0 : i32
    %dma_start3A_213 = arith.constant 0 : i32
    %dma_start3A_214 = tpu.memref_slice %arg6[%dma_start3A_211, %dma_start3A_212, %dma_start3A_213] : memref<2x56x1024xf32, #tpu.memory_space<vmem>> -> memref<1x56x1024xf32, #tpu.memory_space<vmem>>
    %dma_start3A_215 = tpu.memref_squeeze %dma_start3A_214 : memref<1x56x1024xf32, #tpu.memory_space<vmem>> -> memref<56x1024xf32, #tpu.memory_space<vmem>>
    %dma_start3A_216 = arith.constant 232 : i32
    %dma_start3A_217 = tpu.memref_slice %arg5[%dma_start3A_216] : memref<512xi32, #tpu.memory_space<vmem>> -> memref<56xi32, #tpu.memory_space<vmem>>
    %dma_start3A_218 = arith.constant 0 : i32
    %dma_start3A_219 = arith.constant 0 : i32
    %dma_start3A_220 = tpu.memref_slice %arg2[%dma_start3A_218, %dma_start3A_219] : memref<8192x1024xf32, #tpu.memory_space<hbm>> -> memref<8192x1024xf32, #tpu.memory_space<hbm>>
    tpu.enqueue_indirect_dma source(%dma_start3A_220 : memref<8192x1024xf32, #tpu.memory_space<hbm>>) target(%dma_start3A_215 : memref<56x1024xf32, #tpu.memory_space<vmem>>) offsets(%dma_start3A_217 : memref<56xi32, #tpu.memory_space<vmem>>) semaphore(%arg7 : memref<!tpu.dma_semaphore, #tpu.memory_space<semaphore_mem>>)
    %dma_wait3A_221 = arith.constant 0 : i32
    %dma_wait3A_222 = arith.constant 0 : i32
    %dma_wait3A_223 = arith.constant 0 : i32
    %dma_wait3A_224 = tpu.memref_slice %arg6[%dma_wait3A_221, %dma_wait3A_222, %dma_wait3A_223] : memref<2x56x1024xf32, #tpu.memory_space<vmem>> -> memref<1x56x1024xf32, #tpu.memory_space<vmem>>
    %dma_wait3A_225 = tpu.memref_squeeze %dma_wait3A_224 : memref<1x56x1024xf32, #tpu.memory_space<vmem>> -> memref<56x1024xf32, #tpu.memory_space<vmem>>
    %dma_wait3A_226 = arith.constant 176 : i32
    %dma_wait3A_227 = tpu.memref_slice %arg5[%dma_wait3A_226] : memref<512xi32, #tpu.memory_space<vmem>> -> memref<56xi32, #tpu.memory_space<vmem>>
    %dma_wait3A_228 = arith.constant 0 : i32
    %dma_wait3A_229 = arith.constant 0 : i32
    %dma_wait3A_230 = tpu.memref_slice %arg2[%dma_wait3A_228, %dma_wait3A_229] : memref<8192x1024xf32, #tpu.memory_space<hbm>> -> memref<8192x1024xf32, #tpu.memory_space<hbm>>
    tpu.wait_indirect_dma semaphore(%arg7 : memref<!tpu.dma_semaphore, #tpu.memory_space<semaphore_mem>>) src(%dma_wait3A_230 : memref<8192x1024xf32, #tpu.memory_space<hbm>>) dst(%dma_wait3A_225 : memref<56x1024xf32, #tpu.memory_space<vmem>>)
    %add3A_231 = arith.constant 176 : i32
    %add3A_232 = arith.addi %mul3A_2, %add3A_231 : i32
    %dma_start3A_233 = arith.constant 0 : i32
    %dma_start3A_234 = arith.constant 0 : i32
    %dma_start3A_235 = arith.constant 0 : i32
    %dma_start3A_236 = tpu.memref_slice %arg6[%dma_start3A_233, %dma_start3A_234, %dma_start3A_235] : memref<2x56x1024xf32, #tpu.memory_space<vmem>> -> memref<1x56x1024xf32, #tpu.memory_space<vmem>>
    %dma_start3A_237 = tpu.memref_squeeze %dma_start3A_236 : memref<1x56x1024xf32, #tpu.memory_space<vmem>> -> memref<56x1024xf32, #tpu.memory_space<vmem>>
    %dma_start3A_238 = arith.constant 0 : i32
    %dma_start3A_239 = tpu.memref_slice %arg4[%add3A_232, %dma_start3A_238] : memref<16384x1024xf32, #tpu.memory_space<hbm>> -> memref<56x1024xf32, #tpu.memory_space<hbm>>
    %dma_start3A_240 = arith.constant 0 : i32
    %dma_start3A_241 = tpu.memref_slice %arg4[%add3A_232, %dma_start3A_240] : memref<16384x1024xf32, #tpu.memory_space<hbm>> -> memref<56x1024xf32, #tpu.memory_space<hbm>>
    %dma_start3A_242 = arith.constant 0 : i32
    %dma_start3A_243 = arith.constant 0 : i32
    %dma_start3A_244 = tpu.memref_slice %arg6[%dma_start3A_233, %dma_start3A_242, %dma_start3A_243] : memref<2x56x1024xf32, #tpu.memory_space<vmem>> -> memref<1x56x1024xf32, #tpu.memory_space<vmem>>
    %dma_start3A_245 = tpu.memref_squeeze %dma_start3A_244 : memref<1x56x1024xf32, #tpu.memory_space<vmem>> -> memref<56x1024xf32, #tpu.memory_space<vmem>>
    tpu.enqueue_dma source(%dma_start3A_245 : memref<56x1024xf32, #tpu.memory_space<vmem>>) target(%dma_start3A_241 : memref<56x1024xf32, #tpu.memory_space<hbm>>) target_semaphore(%arg8 : memref<!tpu.dma_semaphore, #tpu.memory_space<semaphore_mem>>)
    %add3A_246 = arith.constant 176 : i32
    %add3A_247 = arith.addi %mul3A_2, %add3A_246 : i32
    %dma_wait3A_248 = arith.constant 0 : i32
    %dma_wait3A_249 = arith.constant 0 : i32
    %dma_wait3A_250 = arith.constant 0 : i32
    %dma_wait3A_251 = tpu.memref_slice %arg6[%dma_wait3A_248, %dma_wait3A_249, %dma_wait3A_250] : memref<2x56x1024xf32, #tpu.memory_space<vmem>> -> memref<1x56x1024xf32, #tpu.memory_space<vmem>>
    %dma_wait3A_252 = tpu.memref_squeeze %dma_wait3A_251 : memref<1x56x1024xf32, #tpu.memory_space<vmem>> -> memref<56x1024xf32, #tpu.memory_space<vmem>>
    %dma_wait3A_253 = arith.constant 0 : i32
    %dma_wait3A_254 = tpu.memref_slice %arg4[%add3A_247, %dma_wait3A_253] : memref<16384x1024xf32, #tpu.memory_space<hbm>> -> memref<56x1024xf32, #tpu.memory_space<hbm>>
    %dma_wait3A_255 = arith.constant 0 : i32
    %dma_wait3A_256 = tpu.memref_slice %arg4[%add3A_247, %dma_wait3A_255] : memref<16384x1024xf32, #tpu.memory_space<hbm>> -> memref<56x1024xf32, #tpu.memory_space<hbm>>
    %dma_wait3A_257 = arith.constant 0 : i32
    %dma_wait3A_258 = arith.constant 0 : i32
    %dma_wait3A_259 = tpu.memref_slice %arg6[%dma_wait3A_248, %dma_wait3A_257, %dma_wait3A_258] : memref<2x56x1024xf32, #tpu.memory_space<vmem>> -> memref<1x56x1024xf32, #tpu.memory_space<vmem>>
    %dma_wait3A_260 = tpu.memref_squeeze %dma_wait3A_259 : memref<1x56x1024xf32, #tpu.memory_space<vmem>> -> memref<56x1024xf32, #tpu.memory_space<vmem>>
    tpu.wait_dma2 semaphore(%arg8 : memref<!tpu.dma_semaphore, #tpu.memory_space<semaphore_mem>>) src(%dma_wait3A_260 : memref<56x1024xf32, #tpu.memory_space<vmem>>) dst(%dma_wait3A_256 : memref<56x1024xf32, #tpu.memory_space<hbm>>)
    %dma_start3A_261 = arith.constant 0 : i32
    %dma_start3A_262 = arith.constant 0 : i32
    %dma_start3A_263 = arith.constant 0 : i32
    %dma_start3A_264 = tpu.memref_slice %arg6[%dma_start3A_261, %dma_start3A_262, %dma_start3A_263] : memref<2x56x1024xf32, #tpu.memory_space<vmem>> -> memref<1x56x1024xf32, #tpu.memory_space<vmem>>
    %dma_start3A_265 = tpu.memref_squeeze %dma_start3A_264 : memref<1x56x1024xf32, #tpu.memory_space<vmem>> -> memref<56x1024xf32, #tpu.memory_space<vmem>>
    %dma_start3A_266 = arith.constant 288 : i32
    %dma_start3A_267 = tpu.memref_slice %arg5[%dma_start3A_266] : memref<512xi32, #tpu.memory_space<vmem>> -> memref<56xi32, #tpu.memory_space<vmem>>
    %dma_start3A_268 = arith.constant 0 : i32
    %dma_start3A_269 = arith.constant 0 : i32
    %dma_start3A_270 = tpu.memref_slice %arg2[%dma_start3A_268, %dma_start3A_269] : memref<8192x1024xf32, #tpu.memory_space<hbm>> -> memref<8192x1024xf32, #tpu.memory_space<hbm>>
    tpu.enqueue_indirect_dma source(%dma_start3A_270 : memref<8192x1024xf32, #tpu.memory_space<hbm>>) target(%dma_start3A_265 : memref<56x1024xf32, #tpu.memory_space<vmem>>) offsets(%dma_start3A_267 : memref<56xi32, #tpu.memory_space<vmem>>) semaphore(%arg7 : memref<!tpu.dma_semaphore, #tpu.memory_space<semaphore_mem>>)
    %dma_wait3A_271 = arith.constant 1 : i32
    %dma_wait3A_272 = arith.constant 0 : i32
    %dma_wait3A_273 = arith.constant 0 : i32
    %dma_wait3A_274 = tpu.memref_slice %arg6[%dma_wait3A_271, %dma_wait3A_272, %dma_wait3A_273] : memref<2x56x1024xf32, #tpu.memory_space<vmem>> -> memref<1x56x1024xf32, #tpu.memory_space<vmem>>
    %dma_wait3A_275 = tpu.memref_squeeze %dma_wait3A_274 : memref<1x56x1024xf32, #tpu.memory_space<vmem>> -> memref<56x1024xf32, #tpu.memory_space<vmem>>
    %dma_wait3A_276 = arith.constant 232 : i32
    %dma_wait3A_277 = tpu.memref_slice %arg5[%dma_wait3A_276] : memref<512xi32, #tpu.memory_space<vmem>> -> memref<56xi32, #tpu.memory_space<vmem>>
    %dma_wait3A_278 = arith.constant 0 : i32
    %dma_wait3A_279 = arith.constant 0 : i32
    %dma_wait3A_280 = tpu.memref_slice %arg2[%dma_wait3A_278, %dma_wait3A_279] : memref<8192x1024xf32, #tpu.memory_space<hbm>> -> memref<8192x1024xf32, #tpu.memory_space<hbm>>
    tpu.wait_indirect_dma semaphore(%arg7 : memref<!tpu.dma_semaphore, #tpu.memory_space<semaphore_mem>>) src(%dma_wait3A_280 : memref<8192x1024xf32, #tpu.memory_space<hbm>>) dst(%dma_wait3A_275 : memref<56x1024xf32, #tpu.memory_space<vmem>>)
    %add3A_281 = arith.constant 232 : i32
    %add3A_282 = arith.addi %mul3A_2, %add3A_281 : i32
    %dma_start3A_283 = arith.constant 1 : i32
    %dma_start3A_284 = arith.constant 0 : i32
    %dma_start3A_285 = arith.constant 0 : i32
    %dma_start3A_286 = tpu.memref_slice %arg6[%dma_start3A_283, %dma_start3A_284, %dma_start3A_285] : memref<2x56x1024xf32, #tpu.memory_space<vmem>> -> memref<1x56x1024xf32, #tpu.memory_space<vmem>>
    %dma_start3A_287 = tpu.memref_squeeze %dma_start3A_286 : memref<1x56x1024xf32, #tpu.memory_space<vmem>> -> memref<56x1024xf32, #tpu.memory_space<vmem>>
    %dma_start3A_288 = arith.constant 0 : i32
    %dma_start3A_289 = tpu.memref_slice %arg4[%add3A_282, %dma_start3A_288] : memref<16384x1024xf32, #tpu.memory_space<hbm>> -> memref<56x1024xf32, #tpu.memory_space<hbm>>
    %dma_start3A_290 = arith.constant 0 : i32
    %dma_start3A_291 = tpu.memref_slice %arg4[%add3A_282, %dma_start3A_290] : memref<16384x1024xf32, #tpu.memory_space<hbm>> -> memref<56x1024xf32, #tpu.memory_space<hbm>>
    %dma_start3A_292 = arith.constant 0 : i32
    %dma_start3A_293 = arith.constant 0 : i32
    %dma_start3A_294 = tpu.memref_slice %arg6[%dma_start3A_283, %dma_start3A_292, %dma_start3A_293] : memref<2x56x1024xf32, #tpu.memory_space<vmem>> -> memref<1x56x1024xf32, #tpu.memory_space<vmem>>
    %dma_start3A_295 = tpu.memref_squeeze %dma_start3A_294 : memref<1x56x1024xf32, #tpu.memory_space<vmem>> -> memref<56x1024xf32, #tpu.memory_space<vmem>>
    tpu.enqueue_dma source(%dma_start3A_295 : memref<56x1024xf32, #tpu.memory_space<vmem>>) target(%dma_start3A_291 : memref<56x1024xf32, #tpu.memory_space<hbm>>) target_semaphore(%arg8 : memref<!tpu.dma_semaphore, #tpu.memory_space<semaphore_mem>>)
    %add3A_296 = arith.constant 232 : i32
    %add3A_297 = arith.addi %mul3A_2, %add3A_296 : i32
    %dma_wait3A_298 = arith.constant 1 : i32
    %dma_wait3A_299 = arith.constant 0 : i32
    %dma_wait3A_300 = arith.constant 0 : i32
    %dma_wait3A_301 = tpu.memref_slice %arg6[%dma_wait3A_298, %dma_wait3A_299, %dma_wait3A_300] : memref<2x56x1024xf32, #tpu.memory_space<vmem>> -> memref<1x56x1024xf32, #tpu.memory_space<vmem>>
    %dma_wait3A_302 = tpu.memref_squeeze %dma_wait3A_301 : memref<1x56x1024xf32, #tpu.memory_space<vmem>> -> memref<56x1024xf32, #tpu.memory_space<vmem>>
    %dma_wait3A_303 = arith.constant 0 : i32
    %dma_wait3A_304 = tpu.memref_slice %arg4[%add3A_297, %dma_wait3A_303] : memref<16384x1024xf32, #tpu.memory_space<hbm>> -> memref<56x1024xf32, #tpu.memory_space<hbm>>
    %dma_wait3A_305 = arith.constant 0 : i32
    %dma_wait3A_306 = tpu.memref_slice %arg4[%add3A_297, %dma_wait3A_305] : memref<16384x1024xf32, #tpu.memory_space<hbm>> -> memref<56x1024xf32, #tpu.memory_space<hbm>>
    %dma_wait3A_307 = arith.constant 0 : i32
    %dma_wait3A_308 = arith.constant 0 : i32
    %dma_wait3A_309 = tpu.memref_slice %arg6[%dma_wait3A_298, %dma_wait3A_307, %dma_wait3A_308] : memref<2x56x1024xf32, #tpu.memory_space<vmem>> -> memref<1x56x1024xf32, #tpu.memory_space<vmem>>
    %dma_wait3A_310 = tpu.memref_squeeze %dma_wait3A_309 : memref<1x56x1024xf32, #tpu.memory_space<vmem>> -> memref<56x1024xf32, #tpu.memory_space<vmem>>
    tpu.wait_dma2 semaphore(%arg8 : memref<!tpu.dma_semaphore, #tpu.memory_space<semaphore_mem>>) src(%dma_wait3A_310 : memref<56x1024xf32, #tpu.memory_space<vmem>>) dst(%dma_wait3A_306 : memref<56x1024xf32, #tpu.memory_space<hbm>>)
    %dma_start3A_311 = arith.constant 1 : i32
    %dma_start3A_312 = arith.constant 0 : i32
    %dma_start3A_313 = arith.constant 0 : i32
    %dma_start3A_314 = tpu.memref_slice %arg6[%dma_start3A_311, %dma_start3A_312, %dma_start3A_313] : memref<2x56x1024xf32, #tpu.memory_space<vmem>> -> memref<1x56x1024xf32, #tpu.memory_space<vmem>>
    %dma_start3A_315 = tpu.memref_squeeze %dma_start3A_314 : memref<1x56x1024xf32, #tpu.memory_space<vmem>> -> memref<56x1024xf32, #tpu.memory_space<vmem>>
    %dma_start3A_316 = arith.constant 344 : i32
    %dma_start3A_317 = tpu.memref_slice %arg5[%dma_start3A_316] : memref<512xi32, #tpu.memory_space<vmem>> -> memref<56xi32, #tpu.memory_space<vmem>>
    %dma_start3A_318 = arith.constant 0 : i32
    %dma_start3A_319 = arith.constant 0 : i32
    %dma_start3A_320 = tpu.memref_slice %arg2[%dma_start3A_318, %dma_start3A_319] : memref<8192x1024xf32, #tpu.memory_space<hbm>> -> memref<8192x1024xf32, #tpu.memory_space<hbm>>
    tpu.enqueue_indirect_dma source(%dma_start3A_320 : memref<8192x1024xf32, #tpu.memory_space<hbm>>) target(%dma_start3A_315 : memref<56x1024xf32, #tpu.memory_space<vmem>>) offsets(%dma_start3A_317 : memref<56xi32, #tpu.memory_space<vmem>>) semaphore(%arg7 : memref<!tpu.dma_semaphore, #tpu.memory_space<semaphore_mem>>)
    %dma_wait3A_321 = arith.constant 0 : i32
    %dma_wait3A_322 = arith.constant 0 : i32
    %dma_wait3A_323 = arith.constant 0 : i32
    %dma_wait3A_324 = tpu.memref_slice %arg6[%dma_wait3A_321, %dma_wait3A_322, %dma_wait3A_323] : memref<2x56x1024xf32, #tpu.memory_space<vmem>> -> memref<1x56x1024xf32, #tpu.memory_space<vmem>>
    %dma_wait3A_325 = tpu.memref_squeeze %dma_wait3A_324 : memref<1x56x1024xf32, #tpu.memory_space<vmem>> -> memref<56x1024xf32, #tpu.memory_space<vmem>>
    %dma_wait3A_326 = arith.constant 288 : i32
    %dma_wait3A_327 = tpu.memref_slice %arg5[%dma_wait3A_326] : memref<512xi32, #tpu.memory_space<vmem>> -> memref<56xi32, #tpu.memory_space<vmem>>
    %dma_wait3A_328 = arith.constant 0 : i32
    %dma_wait3A_329 = arith.constant 0 : i32
    %dma_wait3A_330 = tpu.memref_slice %arg2[%dma_wait3A_328, %dma_wait3A_329] : memref<8192x1024xf32, #tpu.memory_space<hbm>> -> memref<8192x1024xf32, #tpu.memory_space<hbm>>
    tpu.wait_indirect_dma semaphore(%arg7 : memref<!tpu.dma_semaphore, #tpu.memory_space<semaphore_mem>>) src(%dma_wait3A_330 : memref<8192x1024xf32, #tpu.memory_space<hbm>>) dst(%dma_wait3A_325 : memref<56x1024xf32, #tpu.memory_space<vmem>>)
    %add3A_331 = arith.constant 288 : i32
    %add3A_332 = arith.addi %mul3A_2, %add3A_331 : i32
    %dma_start3A_333 = arith.constant 0 : i32
    %dma_start3A_334 = arith.constant 0 : i32
    %dma_start3A_335 = arith.constant 0 : i32
    %dma_start3A_336 = tpu.memref_slice %arg6[%dma_start3A_333, %dma_start3A_334, %dma_start3A_335] : memref<2x56x1024xf32, #tpu.memory_space<vmem>> -> memref<1x56x1024xf32, #tpu.memory_space<vmem>>
    %dma_start3A_337 = tpu.memref_squeeze %dma_start3A_336 : memref<1x56x1024xf32, #tpu.memory_space<vmem>> -> memref<56x1024xf32, #tpu.memory_space<vmem>>
    %dma_start3A_338 = arith.constant 0 : i32
    %dma_start3A_339 = tpu.memref_slice %arg4[%add3A_332, %dma_start3A_338] : memref<16384x1024xf32, #tpu.memory_space<hbm>> -> memref<56x1024xf32, #tpu.memory_space<hbm>>
    %dma_start3A_340 = arith.constant 0 : i32
    %dma_start3A_341 = tpu.memref_slice %arg4[%add3A_332, %dma_start3A_340] : memref<16384x1024xf32, #tpu.memory_space<hbm>> -> memref<56x1024xf32, #tpu.memory_space<hbm>>
    %dma_start3A_342 = arith.constant 0 : i32
    %dma_start3A_343 = arith.constant 0 : i32
    %dma_start3A_344 = tpu.memref_slice %arg6[%dma_start3A_333, %dma_start3A_342, %dma_start3A_343] : memref<2x56x1024xf32, #tpu.memory_space<vmem>> -> memref<1x56x1024xf32, #tpu.memory_space<vmem>>
    %dma_start3A_345 = tpu.memref_squeeze %dma_start3A_344 : memref<1x56x1024xf32, #tpu.memory_space<vmem>> -> memref<56x1024xf32, #tpu.memory_space<vmem>>
    tpu.enqueue_dma source(%dma_start3A_345 : memref<56x1024xf32, #tpu.memory_space<vmem>>) target(%dma_start3A_341 : memref<56x1024xf32, #tpu.memory_space<hbm>>) target_semaphore(%arg8 : memref<!tpu.dma_semaphore, #tpu.memory_space<semaphore_mem>>)
    %add3A_346 = arith.constant 288 : i32
    %add3A_347 = arith.addi %mul3A_2, %add3A_346 : i32
    %dma_wait3A_348 = arith.constant 0 : i32
    %dma_wait3A_349 = arith.constant 0 : i32
    %dma_wait3A_350 = arith.constant 0 : i32
    %dma_wait3A_351 = tpu.memref_slice %arg6[%dma_wait3A_348, %dma_wait3A_349, %dma_wait3A_350] : memref<2x56x1024xf32, #tpu.memory_space<vmem>> -> memref<1x56x1024xf32, #tpu.memory_space<vmem>>
    %dma_wait3A_352 = tpu.memref_squeeze %dma_wait3A_351 : memref<1x56x1024xf32, #tpu.memory_space<vmem>> -> memref<56x1024xf32, #tpu.memory_space<vmem>>
    %dma_wait3A_353 = arith.constant 0 : i32
    %dma_wait3A_354 = tpu.memref_slice %arg4[%add3A_347, %dma_wait3A_353] : memref<16384x1024xf32, #tpu.memory_space<hbm>> -> memref<56x1024xf32, #tpu.memory_space<hbm>>
    %dma_wait3A_355 = arith.constant 0 : i32
    %dma_wait3A_356 = tpu.memref_slice %arg4[%add3A_347, %dma_wait3A_355] : memref<16384x1024xf32, #tpu.memory_space<hbm>> -> memref<56x1024xf32, #tpu.memory_space<hbm>>
    %dma_wait3A_357 = arith.constant 0 : i32
    %dma_wait3A_358 = arith.constant 0 : i32
    %dma_wait3A_359 = tpu.memref_slice %arg6[%dma_wait3A_348, %dma_wait3A_357, %dma_wait3A_358] : memref<2x56x1024xf32, #tpu.memory_space<vmem>> -> memref<1x56x1024xf32, #tpu.memory_space<vmem>>
    %dma_wait3A_360 = tpu.memref_squeeze %dma_wait3A_359 : memref<1x56x1024xf32, #tpu.memory_space<vmem>> -> memref<56x1024xf32, #tpu.memory_space<vmem>>
    tpu.wait_dma2 semaphore(%arg8 : memref<!tpu.dma_semaphore, #tpu.memory_space<semaphore_mem>>) src(%dma_wait3A_360 : memref<56x1024xf32, #tpu.memory_space<vmem>>) dst(%dma_wait3A_356 : memref<56x1024xf32, #tpu.memory_space<hbm>>)
    %dma_start3A_361 = arith.constant 0 : i32
    %dma_start3A_362 = arith.constant 0 : i32
    %dma_start3A_363 = arith.constant 0 : i32
    %dma_start3A_364 = tpu.memref_slice %arg6[%dma_start3A_361, %dma_start3A_362, %dma_start3A_363] : memref<2x56x1024xf32, #tpu.memory_space<vmem>> -> memref<1x56x1024xf32, #tpu.memory_space<vmem>>
    %dma_start3A_365 = tpu.memref_squeeze %dma_start3A_364 : memref<1x56x1024xf32, #tpu.memory_space<vmem>> -> memref<56x1024xf32, #tpu.memory_space<vmem>>
    %dma_start3A_366 = arith.constant 400 : i32
    %dma_start3A_367 = tpu.memref_slice %arg5[%dma_start3A_366] : memref<512xi32, #tpu.memory_space<vmem>> -> memref<56xi32, #tpu.memory_space<vmem>>
    %dma_start3A_368 = arith.constant 0 : i32
    %dma_start3A_369 = arith.constant 0 : i32
    %dma_start3A_370 = tpu.memref_slice %arg2[%dma_start3A_368, %dma_start3A_369] : memref<8192x1024xf32, #tpu.memory_space<hbm>> -> memref<8192x1024xf32, #tpu.memory_space<hbm>>
    tpu.enqueue_indirect_dma source(%dma_start3A_370 : memref<8192x1024xf32, #tpu.memory_space<hbm>>) target(%dma_start3A_365 : memref<56x1024xf32, #tpu.memory_space<vmem>>) offsets(%dma_start3A_367 : memref<56xi32, #tpu.memory_space<vmem>>) semaphore(%arg7 : memref<!tpu.dma_semaphore, #tpu.memory_space<semaphore_mem>>)
    %dma_wait3A_371 = arith.constant 1 : i32
    %dma_wait3A_372 = arith.constant 0 : i32
    %dma_wait3A_373 = arith.constant 0 : i32
    %dma_wait3A_374 = tpu.memref_slice %arg6[%dma_wait3A_371, %dma_wait3A_372, %dma_wait3A_373] : memref<2x56x1024xf32, #tpu.memory_space<vmem>> -> memref<1x56x1024xf32, #tpu.memory_space<vmem>>
    %dma_wait3A_375 = tpu.memref_squeeze %dma_wait3A_374 : memref<1x56x1024xf32, #tpu.memory_space<vmem>> -> memref<56x1024xf32, #tpu.memory_space<vmem>>
    %dma_wait3A_376 = arith.constant 344 : i32
    %dma_wait3A_377 = tpu.memref_slice %arg5[%dma_wait3A_376] : memref<512xi32, #tpu.memory_space<vmem>> -> memref<56xi32, #tpu.memory_space<vmem>>
    %dma_wait3A_378 = arith.constant 0 : i32
    %dma_wait3A_379 = arith.constant 0 : i32
    %dma_wait3A_380 = tpu.memref_slice %arg2[%dma_wait3A_378, %dma_wait3A_379] : memref<8192x1024xf32, #tpu.memory_space<hbm>> -> memref<8192x1024xf32, #tpu.memory_space<hbm>>
    tpu.wait_indirect_dma semaphore(%arg7 : memref<!tpu.dma_semaphore, #tpu.memory_space<semaphore_mem>>) src(%dma_wait3A_380 : memref<8192x1024xf32, #tpu.memory_space<hbm>>) dst(%dma_wait3A_375 : memref<56x1024xf32, #tpu.memory_space<vmem>>)
    %add3A_381 = arith.constant 344 : i32
    %add3A_382 = arith.addi %mul3A_2, %add3A_381 : i32
    %dma_start3A_383 = arith.constant 1 : i32
    %dma_start3A_384 = arith.constant 0 : i32
    %dma_start3A_385 = arith.constant 0 : i32
    %dma_start3A_386 = tpu.memref_slice %arg6[%dma_start3A_383, %dma_start3A_384, %dma_start3A_385] : memref<2x56x1024xf32, #tpu.memory_space<vmem>> -> memref<1x56x1024xf32, #tpu.memory_space<vmem>>
    %dma_start3A_387 = tpu.memref_squeeze %dma_start3A_386 : memref<1x56x1024xf32, #tpu.memory_space<vmem>> -> memref<56x1024xf32, #tpu.memory_space<vmem>>
    %dma_start3A_388 = arith.constant 0 : i32
    %dma_start3A_389 = tpu.memref_slice %arg4[%add3A_382, %dma_start3A_388] : memref<16384x1024xf32, #tpu.memory_space<hbm>> -> memref<56x1024xf32, #tpu.memory_space<hbm>>
    %dma_start3A_390 = arith.constant 0 : i32
    %dma_start3A_391 = tpu.memref_slice %arg4[%add3A_382, %dma_start3A_390] : memref<16384x1024xf32, #tpu.memory_space<hbm>> -> memref<56x1024xf32, #tpu.memory_space<hbm>>
    %dma_start3A_392 = arith.constant 0 : i32
    %dma_start3A_393 = arith.constant 0 : i32
    %dma_start3A_394 = tpu.memref_slice %arg6[%dma_start3A_383, %dma_start3A_392, %dma_start3A_393] : memref<2x56x1024xf32, #tpu.memory_space<vmem>> -> memref<1x56x1024xf32, #tpu.memory_space<vmem>>
    %dma_start3A_395 = tpu.memref_squeeze %dma_start3A_394 : memref<1x56x1024xf32, #tpu.memory_space<vmem>> -> memref<56x1024xf32, #tpu.memory_space<vmem>>
    tpu.enqueue_dma source(%dma_start3A_395 : memref<56x1024xf32, #tpu.memory_space<vmem>>) target(%dma_start3A_391 : memref<56x1024xf32, #tpu.memory_space<hbm>>) target_semaphore(%arg8 : memref<!tpu.dma_semaphore, #tpu.memory_space<semaphore_mem>>)
    %add3A_396 = arith.constant 344 : i32
    %add3A_397 = arith.addi %mul3A_2, %add3A_396 : i32
    %dma_wait3A_398 = arith.constant 1 : i32
    %dma_wait3A_399 = arith.constant 0 : i32
    %dma_wait3A_400 = arith.constant 0 : i32
    %dma_wait3A_401 = tpu.memref_slice %arg6[%dma_wait3A_398, %dma_wait3A_399, %dma_wait3A_400] : memref<2x56x1024xf32, #tpu.memory_space<vmem>> -> memref<1x56x1024xf32, #tpu.memory_space<vmem>>
    %dma_wait3A_402 = tpu.memref_squeeze %dma_wait3A_401 : memref<1x56x1024xf32, #tpu.memory_space<vmem>> -> memref<56x1024xf32, #tpu.memory_space<vmem>>
    %dma_wait3A_403 = arith.constant 0 : i32
    %dma_wait3A_404 = tpu.memref_slice %arg4[%add3A_397, %dma_wait3A_403] : memref<16384x1024xf32, #tpu.memory_space<hbm>> -> memref<56x1024xf32, #tpu.memory_space<hbm>>
    %dma_wait3A_405 = arith.constant 0 : i32
    %dma_wait3A_406 = tpu.memref_slice %arg4[%add3A_397, %dma_wait3A_405] : memref<16384x1024xf32, #tpu.memory_space<hbm>> -> memref<56x1024xf32, #tpu.memory_space<hbm>>
    %dma_wait3A_407 = arith.constant 0 : i32
    %dma_wait3A_408 = arith.constant 0 : i32
    %dma_wait3A_409 = tpu.memref_slice %arg6[%dma_wait3A_398, %dma_wait3A_407, %dma_wait3A_408] : memref<2x56x1024xf32, #tpu.memory_space<vmem>> -> memref<1x56x1024xf32, #tpu.memory_space<vmem>>
    %dma_wait3A_410 = tpu.memref_squeeze %dma_wait3A_409 : memref<1x56x1024xf32, #tpu.memory_space<vmem>> -> memref<56x1024xf32, #tpu.memory_space<vmem>>
    tpu.wait_dma2 semaphore(%arg8 : memref<!tpu.dma_semaphore, #tpu.memory_space<semaphore_mem>>) src(%dma_wait3A_410 : memref<56x1024xf32, #tpu.memory_space<vmem>>) dst(%dma_wait3A_406 : memref<56x1024xf32, #tpu.memory_space<hbm>>)
    %dma_start3A_411 = arith.constant 1 : i32
    %dma_start3A_412 = arith.constant 0 : i32
    %dma_start3A_413 = arith.constant 0 : i32
    %dma_start3A_414 = tpu.memref_slice %arg6[%dma_start3A_411, %dma_start3A_412, %dma_start3A_413] : memref<2x56x1024xf32, #tpu.memory_space<vmem>> -> memref<1x48x1024xf32, #tpu.memory_space<vmem>>
    %dma_start3A_415 = tpu.memref_squeeze %dma_start3A_414 : memref<1x48x1024xf32, #tpu.memory_space<vmem>> -> memref<48x1024xf32, #tpu.memory_space<vmem>>
    %dma_start3A_416 = arith.constant 456 : i32
    %dma_start3A_417 = tpu.memref_slice %arg5[%dma_start3A_416] : memref<512xi32, #tpu.memory_space<vmem>> -> memref<48xi32, #tpu.memory_space<vmem>>
    %dma_start3A_418 = arith.constant 0 : i32
    %dma_start3A_419 = arith.constant 0 : i32
    %dma_start3A_420 = tpu.memref_slice %arg2[%dma_start3A_418, %dma_start3A_419] : memref<8192x1024xf32, #tpu.memory_space<hbm>> -> memref<8192x1024xf32, #tpu.memory_space<hbm>>
    tpu.enqueue_indirect_dma source(%dma_start3A_420 : memref<8192x1024xf32, #tpu.memory_space<hbm>>) target(%dma_start3A_415 : memref<48x1024xf32, #tpu.memory_space<vmem>>) offsets(%dma_start3A_417 : memref<48xi32, #tpu.memory_space<vmem>>) semaphore(%arg7 : memref<!tpu.dma_semaphore, #tpu.memory_space<semaphore_mem>>)
    %dma_wait3A_421 = arith.constant 0 : i32
    %dma_wait3A_422 = arith.constant 0 : i32
    %dma_wait3A_423 = arith.constant 0 : i32
    %dma_wait3A_424 = tpu.memref_slice %arg6[%dma_wait3A_421, %dma_wait3A_422, %dma_wait3A_423] : memref<2x56x1024xf32, #tpu.memory_space<vmem>> -> memref<1x56x1024xf32, #tpu.memory_space<vmem>>
    %dma_wait3A_425 = tpu.memref_squeeze %dma_wait3A_424 : memref<1x56x1024xf32, #tpu.memory_space<vmem>> -> memref<56x1024xf32, #tpu.memory_space<vmem>>
    %dma_wait3A_426 = arith.constant 400 : i32
    %dma_wait3A_427 = tpu.memref_slice %arg5[%dma_wait3A_426] : memref<512xi32, #tpu.memory_space<vmem>> -> memref<56xi32, #tpu.memory_space<vmem>>
    %dma_wait3A_428 = arith.constant 0 : i32
    %dma_wait3A_429 = arith.constant 0 : i32
    %dma_wait3A_430 = tpu.memref_slice %arg2[%dma_wait3A_428, %dma_wait3A_429] : memref<8192x1024xf32, #tpu.memory_space<hbm>> -> memref<8192x1024xf32, #tpu.memory_space<hbm>>
    tpu.wait_indirect_dma semaphore(%arg7 : memref<!tpu.dma_semaphore, #tpu.memory_space<semaphore_mem>>) src(%dma_wait3A_430 : memref<8192x1024xf32, #tpu.memory_space<hbm>>) dst(%dma_wait3A_425 : memref<56x1024xf32, #tpu.memory_space<vmem>>)
    %add3A_431 = arith.constant 400 : i32
    %add3A_432 = arith.addi %mul3A_2, %add3A_431 : i32
    %dma_start3A_433 = arith.constant 0 : i32
    %dma_start3A_434 = arith.constant 0 : i32
    %dma_start3A_435 = arith.constant 0 : i32
    %dma_start3A_436 = tpu.memref_slice %arg6[%dma_start3A_433, %dma_start3A_434, %dma_start3A_435] : memref<2x56x1024xf32, #tpu.memory_space<vmem>> -> memref<1x56x1024xf32, #tpu.memory_space<vmem>>
    %dma_start3A_437 = tpu.memref_squeeze %dma_start3A_436 : memref<1x56x1024xf32, #tpu.memory_space<vmem>> -> memref<56x1024xf32, #tpu.memory_space<vmem>>
    %dma_start3A_438 = arith.constant 0 : i32
    %dma_start3A_439 = tpu.memref_slice %arg4[%add3A_432, %dma_start3A_438] : memref<16384x1024xf32, #tpu.memory_space<hbm>> -> memref<56x1024xf32, #tpu.memory_space<hbm>>
    %dma_start3A_440 = arith.constant 0 : i32
    %dma_start3A_441 = tpu.memref_slice %arg4[%add3A_432, %dma_start3A_440] : memref<16384x1024xf32, #tpu.memory_space<hbm>> -> memref<56x1024xf32, #tpu.memory_space<hbm>>
    %dma_start3A_442 = arith.constant 0 : i32
    %dma_start3A_443 = arith.constant 0 : i32
    %dma_start3A_444 = tpu.memref_slice %arg6[%dma_start3A_433, %dma_start3A_442, %dma_start3A_443] : memref<2x56x1024xf32, #tpu.memory_space<vmem>> -> memref<1x56x1024xf32, #tpu.memory_space<vmem>>
    %dma_start3A_445 = tpu.memref_squeeze %dma_start3A_444 : memref<1x56x1024xf32, #tpu.memory_space<vmem>> -> memref<56x1024xf32, #tpu.memory_space<vmem>>
    tpu.enqueue_dma source(%dma_start3A_445 : memref<56x1024xf32, #tpu.memory_space<vmem>>) target(%dma_start3A_441 : memref<56x1024xf32, #tpu.memory_space<hbm>>) target_semaphore(%arg8 : memref<!tpu.dma_semaphore, #tpu.memory_space<semaphore_mem>>)
    %add3A_446 = arith.constant 400 : i32
    %add3A_447 = arith.addi %mul3A_2, %add3A_446 : i32
    %dma_wait3A_448 = arith.constant 0 : i32
    %dma_wait3A_449 = arith.constant 0 : i32
    %dma_wait3A_450 = arith.constant 0 : i32
    %dma_wait3A_451 = tpu.memref_slice %arg6[%dma_wait3A_448, %dma_wait3A_449, %dma_wait3A_450] : memref<2x56x1024xf32, #tpu.memory_space<vmem>> -> memref<1x56x1024xf32, #tpu.memory_space<vmem>>
    %dma_wait3A_452 = tpu.memref_squeeze %dma_wait3A_451 : memref<1x56x1024xf32, #tpu.memory_space<vmem>> -> memref<56x1024xf32, #tpu.memory_space<vmem>>
    %dma_wait3A_453 = arith.constant 0 : i32
    %dma_wait3A_454 = tpu.memref_slice %arg4[%add3A_447, %dma_wait3A_453] : memref<16384x1024xf32, #tpu.memory_space<hbm>> -> memref<56x1024xf32, #tpu.memory_space<hbm>>
    %dma_wait3A_455 = arith.constant 0 : i32
    %dma_wait3A_456 = tpu.memref_slice %arg4[%add3A_447, %dma_wait3A_455] : memref<16384x1024xf32, #tpu.memory_space<hbm>> -> memref<56x1024xf32, #tpu.memory_space<hbm>>
    %dma_wait3A_457 = arith.constant 0 : i32
    %dma_wait3A_458 = arith.constant 0 : i32
    %dma_wait3A_459 = tpu.memref_slice %arg6[%dma_wait3A_448, %dma_wait3A_457, %dma_wait3A_458] : memref<2x56x1024xf32, #tpu.memory_space<vmem>> -> memref<1x56x1024xf32, #tpu.memory_space<vmem>>
    %dma_wait3A_460 = tpu.memref_squeeze %dma_wait3A_459 : memref<1x56x1024xf32, #tpu.memory_space<vmem>> -> memref<56x1024xf32, #tpu.memory_space<vmem>>
    tpu.wait_dma2 semaphore(%arg8 : memref<!tpu.dma_semaphore, #tpu.memory_space<semaphore_mem>>) src(%dma_wait3A_460 : memref<56x1024xf32, #tpu.memory_space<vmem>>) dst(%dma_wait3A_456 : memref<56x1024xf32, #tpu.memory_space<hbm>>)
    %dma_start3A_461 = arith.constant 0 : i32
    %dma_start3A_462 = arith.constant 0 : i32
    %dma_start3A_463 = arith.constant 0 : i32
    %dma_start3A_464 = tpu.memref_slice %arg6[%dma_start3A_461, %dma_start3A_462, %dma_start3A_463] : memref<2x56x1024xf32, #tpu.memory_space<vmem>> -> memref<1x8x1024xf32, #tpu.memory_space<vmem>>
    %dma_start3A_465 = tpu.memref_squeeze %dma_start3A_464 : memref<1x8x1024xf32, #tpu.memory_space<vmem>> -> memref<8x1024xf32, #tpu.memory_space<vmem>>
    %dma_start3A_466 = arith.constant 504 : i32
    %dma_start3A_467 = tpu.memref_slice %arg5[%dma_start3A_466] : memref<512xi32, #tpu.memory_space<vmem>> -> memref<8xi32, #tpu.memory_space<vmem>>
    %dma_start3A_468 = arith.constant 0 : i32
    %dma_start3A_469 = arith.constant 0 : i32
    %dma_start3A_470 = tpu.memref_slice %arg2[%dma_start3A_468, %dma_start3A_469] : memref<8192x1024xf32, #tpu.memory_space<hbm>> -> memref<8192x1024xf32, #tpu.memory_space<hbm>>
    tpu.enqueue_indirect_dma source(%dma_start3A_470 : memref<8192x1024xf32, #tpu.memory_space<hbm>>) target(%dma_start3A_465 : memref<8x1024xf32, #tpu.memory_space<vmem>>) offsets(%dma_start3A_467 : memref<8xi32, #tpu.memory_space<vmem>>) semaphore(%arg7 : memref<!tpu.dma_semaphore, #tpu.memory_space<semaphore_mem>>)
    %dma_wait3A_471 = arith.constant 1 : i32
    %dma_wait3A_472 = arith.constant 0 : i32
    %dma_wait3A_473 = arith.constant 0 : i32
    %dma_wait3A_474 = tpu.memref_slice %arg6[%dma_wait3A_471, %dma_wait3A_472, %dma_wait3A_473] : memref<2x56x1024xf32, #tpu.memory_space<vmem>> -> memref<1x48x1024xf32, #tpu.memory_space<vmem>>
    %dma_wait3A_475 = tpu.memref_squeeze %dma_wait3A_474 : memref<1x48x1024xf32, #tpu.memory_space<vmem>> -> memref<48x1024xf32, #tpu.memory_space<vmem>>
    %dma_wait3A_476 = arith.constant 456 : i32
    %dma_wait3A_477 = tpu.memref_slice %arg5[%dma_wait3A_476] : memref<512xi32, #tpu.memory_space<vmem>> -> memref<48xi32, #tpu.memory_space<vmem>>
    %dma_wait3A_478 = arith.constant 0 : i32
    %dma_wait3A_479 = arith.constant 0 : i32
    %dma_wait3A_480 = tpu.memref_slice %arg2[%dma_wait3A_478, %dma_wait3A_479] : memref<8192x1024xf32, #tpu.memory_space<hbm>> -> memref<8192x1024xf32, #tpu.memory_space<hbm>>
    tpu.wait_indirect_dma semaphore(%arg7 : memref<!tpu.dma_semaphore, #tpu.memory_space<semaphore_mem>>) src(%dma_wait3A_480 : memref<8192x1024xf32, #tpu.memory_space<hbm>>) dst(%dma_wait3A_475 : memref<48x1024xf32, #tpu.memory_space<vmem>>)
    %add3A_481 = arith.constant 456 : i32
    %add3A_482 = arith.addi %mul3A_2, %add3A_481 : i32
    %dma_start3A_483 = arith.constant 1 : i32
    %dma_start3A_484 = arith.constant 0 : i32
    %dma_start3A_485 = arith.constant 0 : i32
    %dma_start3A_486 = tpu.memref_slice %arg6[%dma_start3A_483, %dma_start3A_484, %dma_start3A_485] : memref<2x56x1024xf32, #tpu.memory_space<vmem>> -> memref<1x48x1024xf32, #tpu.memory_space<vmem>>
    %dma_start3A_487 = tpu.memref_squeeze %dma_start3A_486 : memref<1x48x1024xf32, #tpu.memory_space<vmem>> -> memref<48x1024xf32, #tpu.memory_space<vmem>>
    %dma_start3A_488 = arith.constant 0 : i32
    %dma_start3A_489 = tpu.memref_slice %arg4[%add3A_482, %dma_start3A_488] : memref<16384x1024xf32, #tpu.memory_space<hbm>> -> memref<48x1024xf32, #tpu.memory_space<hbm>>
    %dma_start3A_490 = arith.constant 0 : i32
    %dma_start3A_491 = tpu.memref_slice %arg4[%add3A_482, %dma_start3A_490] : memref<16384x1024xf32, #tpu.memory_space<hbm>> -> memref<48x1024xf32, #tpu.memory_space<hbm>>
    %dma_start3A_492 = arith.constant 0 : i32
    %dma_start3A_493 = arith.constant 0 : i32
    %dma_start3A_494 = tpu.memref_slice %arg6[%dma_start3A_483, %dma_start3A_492, %dma_start3A_493] : memref<2x56x1024xf32, #tpu.memory_space<vmem>> -> memref<1x48x1024xf32, #tpu.memory_space<vmem>>
    %dma_start3A_495 = tpu.memref_squeeze %dma_start3A_494 : memref<1x48x1024xf32, #tpu.memory_space<vmem>> -> memref<48x1024xf32, #tpu.memory_space<vmem>>
    tpu.enqueue_dma source(%dma_start3A_495 : memref<48x1024xf32, #tpu.memory_space<vmem>>) target(%dma_start3A_491 : memref<48x1024xf32, #tpu.memory_space<hbm>>) target_semaphore(%arg8 : memref<!tpu.dma_semaphore, #tpu.memory_space<semaphore_mem>>)
    %dma_wait3A_496 = arith.constant 0 : i32
    %dma_wait3A_497 = arith.constant 0 : i32
    %dma_wait3A_498 = arith.constant 0 : i32
    %dma_wait3A_499 = tpu.memref_slice %arg6[%dma_wait3A_496, %dma_wait3A_497, %dma_wait3A_498] : memref<2x56x1024xf32, #tpu.memory_space<vmem>> -> memref<1x8x1024xf32, #tpu.memory_space<vmem>>
    %dma_wait3A_500 = tpu.memref_squeeze %dma_wait3A_499 : memref<1x8x1024xf32, #tpu.memory_space<vmem>> -> memref<8x1024xf32, #tpu.memory_space<vmem>>
    %dma_wait3A_501 = arith.constant 504 : i32
    %dma_wait3A_502 = tpu.memref_slice %arg5[%dma_wait3A_501] : memref<512xi32, #tpu.memory_space<vmem>> -> memref<8xi32, #tpu.memory_space<vmem>>
    %dma_wait3A_503 = arith.constant 0 : i32
    %dma_wait3A_504 = arith.constant 0 : i32
    %dma_wait3A_505 = tpu.memref_slice %arg2[%dma_wait3A_503, %dma_wait3A_504] : memref<8192x1024xf32, #tpu.memory_space<hbm>> -> memref<8192x1024xf32, #tpu.memory_space<hbm>>
    tpu.wait_indirect_dma semaphore(%arg7 : memref<!tpu.dma_semaphore, #tpu.memory_space<semaphore_mem>>) src(%dma_wait3A_505 : memref<8192x1024xf32, #tpu.memory_space<hbm>>) dst(%dma_wait3A_500 : memref<8x1024xf32, #tpu.memory_space<vmem>>)
    %add3A_506 = arith.constant 504 : i32
    %add3A_507 = arith.addi %mul3A_2, %add3A_506 : i32
    %dma_start3A_508 = arith.constant 0 : i32
    %dma_start3A_509 = arith.constant 0 : i32
    %dma_start3A_510 = arith.constant 0 : i32
    %dma_start3A_511 = tpu.memref_slice %arg6[%dma_start3A_508, %dma_start3A_509, %dma_start3A_510] : memref<2x56x1024xf32, #tpu.memory_space<vmem>> -> memref<1x8x1024xf32, #tpu.memory_space<vmem>>
    %dma_start3A_512 = tpu.memref_squeeze %dma_start3A_511 : memref<1x8x1024xf32, #tpu.memory_space<vmem>> -> memref<8x1024xf32, #tpu.memory_space<vmem>>
    %dma_start3A_513 = arith.constant 0 : i32
    %dma_start3A_514 = tpu.memref_slice %arg4[%add3A_507, %dma_start3A_513] : memref<16384x1024xf32, #tpu.memory_space<hbm>> -> memref<8x1024xf32, #tpu.memory_space<hbm>>
    %dma_start3A_515 = arith.constant 0 : i32
    %dma_start3A_516 = tpu.memref_slice %arg4[%add3A_507, %dma_start3A_515] : memref<16384x1024xf32, #tpu.memory_space<hbm>> -> memref<8x1024xf32, #tpu.memory_space<hbm>>
    %dma_start3A_517 = arith.constant 0 : i32
    %dma_start3A_518 = arith.constant 0 : i32
    %dma_start3A_519 = tpu.memref_slice %arg6[%dma_start3A_508, %dma_start3A_517, %dma_start3A_518] : memref<2x56x1024xf32, #tpu.memory_space<vmem>> -> memref<1x8x1024xf32, #tpu.memory_space<vmem>>
    %dma_start3A_520 = tpu.memref_squeeze %dma_start3A_519 : memref<1x8x1024xf32, #tpu.memory_space<vmem>> -> memref<8x1024xf32, #tpu.memory_space<vmem>>
    tpu.enqueue_dma source(%dma_start3A_520 : memref<8x1024xf32, #tpu.memory_space<vmem>>) target(%dma_start3A_516 : memref<8x1024xf32, #tpu.memory_space<hbm>>) target_semaphore(%arg8 : memref<!tpu.dma_semaphore, #tpu.memory_space<semaphore_mem>>)
    %add3A_521 = arith.constant 456 : i32
    %add3A_522 = arith.addi %mul3A_2, %add3A_521 : i32
    %dma_wait3A_523 = arith.constant 1 : i32
    %dma_wait3A_524 = arith.constant 0 : i32
    %dma_wait3A_525 = arith.constant 0 : i32
    %dma_wait3A_526 = tpu.memref_slice %arg6[%dma_wait3A_523, %dma_wait3A_524, %dma_wait3A_525] : memref<2x56x1024xf32, #tpu.memory_space<vmem>> -> memref<1x48x1024xf32, #tpu.memory_space<vmem>>
    %dma_wait3A_527 = tpu.memref_squeeze %dma_wait3A_526 : memref<1x48x1024xf32, #tpu.memory_space<vmem>> -> memref<48x1024xf32, #tpu.memory_space<vmem>>
    %dma_wait3A_528 = arith.constant 0 : i32
    %dma_wait3A_529 = tpu.memref_slice %arg4[%add3A_522, %dma_wait3A_528] : memref<16384x1024xf32, #tpu.memory_space<hbm>> -> memref<48x1024xf32, #tpu.memory_space<hbm>>
    %dma_wait3A_530 = arith.constant 0 : i32
    %dma_wait3A_531 = tpu.memref_slice %arg4[%add3A_522, %dma_wait3A_530] : memref<16384x1024xf32, #tpu.memory_space<hbm>> -> memref<48x1024xf32, #tpu.memory_space<hbm>>
    %dma_wait3A_532 = arith.constant 0 : i32
    %dma_wait3A_533 = arith.constant 0 : i32
    %dma_wait3A_534 = tpu.memref_slice %arg6[%dma_wait3A_523, %dma_wait3A_532, %dma_wait3A_533] : memref<2x56x1024xf32, #tpu.memory_space<vmem>> -> memref<1x48x1024xf32, #tpu.memory_space<vmem>>
    %dma_wait3A_535 = tpu.memref_squeeze %dma_wait3A_534 : memref<1x48x1024xf32, #tpu.memory_space<vmem>> -> memref<48x1024xf32, #tpu.memory_space<vmem>>
    tpu.wait_dma2 semaphore(%arg8 : memref<!tpu.dma_semaphore, #tpu.memory_space<semaphore_mem>>) src(%dma_wait3A_535 : memref<48x1024xf32, #tpu.memory_space<vmem>>) dst(%dma_wait3A_531 : memref<48x1024xf32, #tpu.memory_space<hbm>>)
    %add3A_536 = arith.constant 504 : i32
    %add3A_537 = arith.addi %mul3A_2, %add3A_536 : i32
    %dma_wait3A_538 = arith.constant 0 : i32
    %dma_wait3A_539 = arith.constant 0 : i32
    %dma_wait3A_540 = arith.constant 0 : i32
    %dma_wait3A_541 = tpu.memref_slice %arg6[%dma_wait3A_538, %dma_wait3A_539, %dma_wait3A_540] : memref<2x56x1024xf32, #tpu.memory_space<vmem>> -> memref<1x8x1024xf32, #tpu.memory_space<vmem>>
    %dma_wait3A_542 = tpu.memref_squeeze %dma_wait3A_541 : memref<1x8x1024xf32, #tpu.memory_space<vmem>> -> memref<8x1024xf32, #tpu.memory_space<vmem>>
    %dma_wait3A_543 = arith.constant 0 : i32
    %dma_wait3A_544 = tpu.memref_slice %arg4[%add3A_537, %dma_wait3A_543] : memref<16384x1024xf32, #tpu.memory_space<hbm>> -> memref<8x1024xf32, #tpu.memory_space<hbm>>
    %dma_wait3A_545 = arith.constant 0 : i32
    %dma_wait3A_546 = tpu.memref_slice %arg4[%add3A_537, %dma_wait3A_545] : memref<16384x1024xf32, #tpu.memory_space<hbm>> -> memref<8x1024xf32, #tpu.memory_space<hbm>>
    %dma_wait3A_547 = arith.constant 0 : i32
    %dma_wait3A_548 = arith.constant 0 : i32
    %dma_wait3A_549 = tpu.memref_slice %arg6[%dma_wait3A_538, %dma_wait3A_547, %dma_wait3A_548] : memref<2x56x1024xf32, #tpu.memory_space<vmem>> -> memref<1x8x1024xf32, #tpu.memory_space<vmem>>
    %dma_wait3A_550 = tpu.memref_squeeze %dma_wait3A_549 : memref<1x8x1024xf32, #tpu.memory_space<vmem>> -> memref<8x1024xf32, #tpu.memory_space<vmem>>
    tpu.wait_dma2 semaphore(%arg8 : memref<!tpu.dma_semaphore, #tpu.memory_space<semaphore_mem>>) src(%dma_wait3A_550 : memref<8x1024xf32, #tpu.memory_space<vmem>>) dst(%dma_wait3A_546 : memref<8x1024xf32, #tpu.memory_space<hbm>>)
    return
  }
}

</mosaic_0001>

<sc_bundles>
// kernel: kernel.3.cloned.1.call-start
scs
__scs_entry_jumppad:
0x0: {  	(pc) =	sbr.rel $0x88, $3  }
0x1: {  	(tag) =	ssettag $0x0;
	lr =	simm.s32 $0x1  }
0x2: {  	[smem:$0x3F9F] =	sst lr;
	_ =	strace $0xD0000000  }
0x3: {  	_ = 	snop  }
0x4: {  	_ = 	snop  }
0x5: {  	_ = 	snop  }
0x6: {  	_ = 	snop  }
0x7: {  	_ = 	snop  }
__scs_overlays_trampoline_lowered:
0x8: {  	[smem:$0x3FAE] =	sst s0  }
0x9: {  	[smem:$0x3FAF] =	sst s1  }
0xa: {  	[smem:$0x3FB0] =	sst s2  }
0xb: {  	[smem:$0x3FB1] =	sst s3  }
0xc: {  	[smem:$0x3FB2] =	sst s4  }
0xd: {  	[smem:$0x3FB3] =	sst s5  }
0xe: {  	[smem:$0x3FB4] =	sst s6  }
0xf: {  	[smem:$0x3FB5] =	sst s7  }
0x10: {  	[smem:$0x3FB6] =	sst s8  }
0x11: {  	[smem:$0x3FB7] =	sst s9;
	s0 =	simm.s32 @!p0 $0x0  }
0x12: {  	s1 =	sld [smem:$0x3F9D];
	s0 =	simm.s32 @p0 $0x1  }
0x13: {  	[smem:$0x3FB8] =	sst s0;
	s0 =	simm.s32 @!p1 $0x0  }
0x14: {  	s2 =	sld [smem:$0x3F9C];
	s0 =	simm.s32 @p1 $0x1  }
0x15: {  	[smem:$0x3FB9] =	sst s0;
	s0 =	simm.s32 @!p2 $0x0  }
0x16: {  	s3 =	sld [smem:$0x3FDB];
	s0 =	simm.s32 @p2 $0x1  }
0x17: {  	s4 =	simm.s32 $0x1BF5;
	[smem:$0x3FBB] =	sst s0  }
0x18: {  	s0 =	sld [smem:$0x3F9E];
	_ =	swait.ge [sflag:s4], $0x0  }
0x19: {  	s7 =	sld [smem:$0x3F9F]  }
0x1a: {  	s8 =	sadd.s32 $0xFFFFE003, lr  }
0x1b: {  	s9 =	sadd.s32 $0xFFFFFEF7, lr;
	s5 =	simm.s32 $0xFFFFFFFF;
	p2 =	slt.u32 s8, $0xFFFFF086  }
0x1c: {  	p1 =	slt.u32 s9, $0xF7A;
	s5 =	simm.s32 @!p2 $0x0  }
0x1d: {  	s5 =	simm.s32 @p1 $0x1;
	p0 =	seq.s32 s7, s2  }
0x1e: {  	s7 =	smul.u32 @!p0 $0xF7A, s2;
	p2 =	seq.s32 @!p0 s5, $0x0  }
0x1f: {  	s9 =	smul.u32 $0xF7A, s1;
	s8 =	simm.s32 @!p0 $0x1BF5;
	p2 =	por !p2, p0  }
0x20: {  	[sflag:s8] =	ssyncset.s32 @!p0 $0xFFFFF086;
	s6 =	sadd.s32 @!p0 s3, s7;
	s7 =	simm.s32 @!p0 $0x108  }
0x21: {  	s3 =	sadd.s32 s3, s9;
	s6 =	sadd.s32 @!p0 $0x88, s6;
	s7 =	simm.s32 @p2 $0x1082  }
0x22: {  	[simem:s7], [sflag:s8] =	dma.local @!p0 [hbm:s6], $0xF7A  }
0x23: {  	s9 =	sor.u32 $0xD0000000, s2;
	s6 =	simm.s32 $0x108;
	_ =	swait.ge @!p0 [sflag:s8], $0x0  }
0x24: {  	s3 =	sadd.s32 $0x88, s3;
	s6 =	simm.s32 @!p1 $0x1082;
	[sflag:s4] =	ssyncset.s32 $0xFFFFF086  }
0x25: {  	[simem:s6], [sflag:s4] =	dma.local [hbm:s3], $0xF7A  }
0x26: {  	[smem:$0x3F9F] =	sst s1;
	(tag) =	ssettag s2;
	_ =	strace s9  }
0x27: {  	s1 =	sld [smem:$0x3FAF]  }
0x28: {  	s2 =	sld [smem:$0x3FB0]  }
0x29: {  	s4 =	sld [smem:$0x3FB2]  }
0x2a: {  	p0 =	seq.s32 s5, $0x0;
	s5 =	sld [smem:$0x3FB3]  }
0x2b: {  	s6 =	sld [smem:$0x3FB4]  }
0x2c: {  	s7 =	sld [smem:$0x3FB5]  }
0x2d: {  	s3 =	simm.s32 $0x108;
	s8 =	sld [smem:$0x3FB6]  }
0x2e: {  	s3 =	simm.s32 @!p0 $0x1082;
	s9 =	sld [smem:$0x3FB7]  }
0x2f: {  	lr =	sadd.s32 s0, s3;
	s0 =	sld [smem:$0x3FAE]  }
0x30: {  	s3 =	sld [smem:$0x3FB1]  }
0x31: {  	[smem:$0x3FBA] =	sst s10  }
0x32: {  	s10 =	sld [smem:$0x3FB8];
	_ =	sdelay $0x3  }
0x33: {  	p0 =	seq.s32 s10, $0x1;
	s10 =	sld [smem:$0x3FBA];
	_ =	sdelay $0x3  }
0x34: {  	[smem:$0x3FBA] =	sst s10  }
0x35: {  	s10 =	sld [smem:$0x3FB9];
	_ =	sdelay $0x3  }
0x36: {  	p1 =	seq.s32 s10, $0x1;
	s10 =	sld [smem:$0x3FBA];
	_ =	sdelay $0x3  }
0x37: {  	[smem:$0x3FBA] =	sst s10  }
0x38: {  	s10 =	sld [smem:$0x3FBB]  }
0x39: {  	_ = 	snop;
	(pc) =	sbr.ind lr, $3  }
0x3a: {  	_ = 	snop  }
0x3b: {  	_ = 	snop  }
0x3c: {  	p2 =	seq.s32 s10, $0x1;
	s10 =	sld [smem:$0x3FBA]  }
0x3d: {  	_ =	shalt  }
0x3e: {  	_ =	shalt  }
0x3f: {  	_ =	shalt  }
0x40: {  	_ =	shalt  }
0x41: {  	_ =	shalt  }
0x42: {  	_ =	shalt  }
0x43: {  	_ =	shalt  }
0x44: {  	_ =	shalt  }
0x45: {  	_ =	shalt  }
0x46: {  	_ =	shalt  }
0x47: {  	_ =	shalt  }
0x48: {  	_ =	shalt  }
0x49: {  	_ =	shalt  }
0x4a: {  	_ =	shalt  }
0x4b: {  	_ =	shalt  }
0x4c: {  	_ =	shalt  }
0x4d: {  	_ =	shalt  }
0x4e: {  	_ =	shalt  }
0x4f: {  	_ =	shalt  }
0x50: {  	_ =	shalt  }
0x51: {  	_ =	shalt  }
0x52: {  	_ =	shalt  }
0x53: {  	_ =	shalt  }
0x54: {  	_ =	shalt  }
0x55: {  	_ =	shalt  }
0x56: {  	_ =	shalt  }
0x57: {  	_ =	shalt  }
0x58: {  	_ =	shalt  }
0x59: {  	_ =	shalt  }
0x5a: {  	_ =	shalt  }
0x5b: {  	_ =	shalt  }
0x5c: {  	_ =	shalt  }
0x5d: {  	_ =	shalt  }
0x5e: {  	_ =	shalt  }
0x5f: {  	_ =	shalt  }
0x60: {  	_ =	shalt  }
0x61: {  	_ =	shalt  }
0x62: {  	_ =	shalt  }
0x63: {  	_ =	shalt  }
0x64: {  	_ =	shalt  }
0x65: {  	_ =	shalt  }
0x66: {  	_ =	shalt  }
0x67: {  	_ =	shalt  }
0x68: {  	_ =	shalt  }
0x69: {  	_ =	shalt  }
0x6a: {  	_ =	shalt  }
0x6b: {  	_ =	shalt  }
0x6c: {  	_ =	shalt  }
0x6d: {  	_ =	shalt  }
0x6e: {  	_ =	shalt  }
0x6f: {  	_ =	shalt  }
0x70: {  	_ =	shalt  }
0x71: {  	_ =	shalt  }
0x72: {  	_ =	shalt  }
0x73: {  	_ =	shalt  }
0x74: {  	_ =	shalt  }
0x75: {  	_ =	shalt  }
0x76: {  	_ =	shalt  }
0x77: {  	_ =	shalt  }
0x78: {  	_ =	shalt  }
0x79: {  	_ =	shalt  }
0x7a: {  	_ =	shalt  }
0x7b: {  	_ =	shalt  }
0x7c: {  	_ =	shalt  }
0x7d: {  	_ =	shalt  }
0x7e: {  	_ =	shalt  }
0x7f: {  	_ =	shalt  }
0x80: {  	_ =	shalt  }
0x81: {  	_ =	shalt  }
0x82: {  	_ =	shalt  }
0x83: {  	_ =	shalt  }
0x84: {  	_ =	shalt  }
0x85: {  	_ =	shalt  }
0x86: {  	_ =	shalt  }
0x87: {  	_ =	shalt  }
.Lfunc_end0:
.L_simem_size_0:
called_computation_lowered:
.L_overlay_start_0:
0x88: {  	s2 =	sld [smem:$0x3FD9]  }
0x89: {  	s3 =	sld [smem:$0x3FFE];
	_ =	sdelay $0x1  }
0x8a: {  	s1 =	srdreg.scid  }
0x8b: {  	s0 =	sand.u32 $0x1, s1  }
0x8c: {  	s18 =	sshll.u32 s0, $0xA;
	s2 =	sadd.s32 s3, s2  }
0x8d: {  	s2 =	sadd.s32 s2, s18  }
0x8e: {  	[smem:$0x3FC6] =	sst s2  }
0x8f: {  	_ = 	snop  }
0x90: {  	s2 =	sld [smem:$0x3FC9]  }
0x91: {  	s19 =	sld [smem:$0x3FC8]  }
0x92: {  	s4 =	sld [smem:$0x3FD0];
	(tm) =	ssettm $0x1  }
0x93: {  	s5 =	sld [smem:$0x3FFB];
	_ =	sdelay $0x3  }
0x94: {  	_ =	strace s5  }
0x95: {  	s5 =	sld [smem:$0x3FFC];
	_ =	sdelay $0x3  }
0x96: {  	_ =	strace s5  }
0x97: {  	s5 =	sld [smem:$0x3FFD];
	_ =	sdelay $0x3  }
0x98: {  	_ =	strace s5  }
0x99: {  	_ =	strace $0x8FFFFFFF  }
0x9a: {  	s20 =	sld [smem:$0x3FDB];
	_ =	sdelay $0x1  }
0x9b: {  	s6 =	simm.s32 $_scs_section_size  }
0x9c: {  	s7 =	simm.s32 $_size__tile_overlayer_lowered;
	s8 =	simm.s32 $_tile_overlayer_lowered  }
0x9d: {  	s23 =	simm.s32 $0x1BFF;
	s22 =	sshll.u32 s8, $0x1;
	s5 =	sadd.s32 s6, s20  }
0x9e: {  	s9 =	simm.s32 $0x0;
	s21 =	sshll.u32 s7, $0x1;
	s7 =	sadd.s32 s22, s5  }
0x9f: {  	[timem:s9], [sflag:s23] =	dma.local [hbm:s7], s21  }
0xa0: {  	_ =	swait.ge [sflag:s23], s21  }
0xa1: {  	s6 =	ssub.s32 $0x0, s21;
	[sflag:s23] =	ssyncset.done $0x0  }
0xa2: {  	[sflag:s23] =	ssyncadd.s32 s6;
	_ =	sdelay $0x1  }
0xa3: {  	s24 =	simm.s32 $0x1B8B  }
0xa4: {  	_ =	swait.ge [sflag:s24], $0x1  }
0xa5: {  	[sflag:s24] =	ssyncset.done $0x0  }
0xa6: {  	s25 =	simm.s32 $0x1B8E;
	[sflag:s24] =	ssyncadd.s32 $0xFFFFFFFF  }
0xa7: {  	s26 =	simm.s32 $execute0_lowered;
	[smem:$0x3FD2] =	sst s25  }
0xa8: {  	s6 =	sshll.u32 s26, $0x1;
	_ =	strace $0x80000046;
	[dreg:$0x1] =	wrdreg $0xFFFFFFFF  }
0xa9: {  	s28 =	simm.s32 $_size_execute0_lowered;
	s5 =	sadd.s32 s5, s6;
	[dreg:$0x0] =	wrdreg $0x0  }
0xaa: {  	s6 =	sshll.u32 s28, $0x1;
	[dreg:$0x2] =	wrdreg s5  }
0xab: {  	[dreg:$0x3] =	wrdreg s6  }
0xac: {  	[dreg:$0x4] =	wrdreg $0xC0  }
0xad: {  	_ =	task [dreg:s9], $0x5FFFF  }
0xae: {  	[dreg:$0x1] =	wrdreg $0xFFFFFFFF  }
0xaf: {  	[dreg:$0x0] =	wrdreg $0x60  }
0xb0: {  	[dreg:$0x2] =	wrdreg s19  }
0xb1: {  	[dreg:$0x3] =	wrdreg s2  }
0xb2: {  	[dreg:$0x4] =	wrdreg s4  }
0xb3: {  	[dreg:$0x5] =	wrdreg $0x9  }
0xb4: {  	_ =	task.clear_ibuf [dreg:s9], $0x6FFFF;
	_ =	strace $0x90000046  }
0xb5: {  	s29 =	simm.s32 $0x9;
	_ =	strace $0x80000048  }
0xb6: {  	_ =	swait.ge [sflag:s29], $0x1  }
0xb7: {  	[sflag:s29] =	ssyncadd.s32 $0xFFFFFFFF  }
0xb8: {  	_ =	strace $0x90000048  }
0xb9: {  	_ =	sfence  }
0xba: {  	s30 =	sld [smem:$0x0];
	_ =	sdelay $0x2  }
0xbb: {  	s31 =	sshll.u32 s1, $0xD;
	s1 =	sshrl.u32 s1, $0x2  }
0xbc: {  	s3 =	sand.u32 $0x4000, s31;
	s1 =	sadd.s32 s1, s30  }
0xbd: {  	s0 =	sor.u32 s3, s0;
	s1 =	sshll.u32 s1, $0x11  }
0xbe: {  	s0 =	sor.u32 s1, s0  }
0xbf: {  	s0 =	sadd.s32 $0x8F2B, s0  }
0xc0: {  	[sflag:s0] =	ssyncadd.remote.s32 $0x1  }
0xc1: {  	_ =	sfence.sel $0xFFFF  }
0xc2: {  	[dreg:$0x0] =	wrdreg $0xFFFFFFFF;
	(pc) =	sbr.abs _section_cstart, $3  }
0xc3: {  	[dreg:$0x1] =	wrdreg $0xFFFFFFFF  }
0xc4: {  	_ =	task.clear_ibuf [dreg:s9], $0x2FFFF;
	_ =	strace $0x9FFFFFFF  }
0xc5: {  	(tm) =	ssettm $0x7FFFFFFF  }
tec
execute0_lowered:
.L_overlay_start_1:
0x0: {  	(tag) =	ssettag $0x1  }
0x1: {  	s0 =	srdreg.scid  }
0x2: {  	s3 =	stileid.u32;
	s0 =	sand.u32 $0x1, s0  }
0x3: {  	s1 =	rddreg [dreg:$0x0];
	s5 =	sshll.u32 s3, $0xA;
	s6 =	sshll.u32 s0, $0x9  }
0x4: {  	s2 =	rddreg [dreg:$0x1];
	s5 =	sor.u32 s6, s5  }
0x5: {  	s4 =	rddreg [dreg:$0x2];
	s3 =	simm.s32 $0x0;
	s6 =	sshrl.u32 s5, $0x3  }
0x6: {  	[smem:$0x7FF] =	sst s3;
	s5 =	sshll.u32 s5, $0x7;
	s2 =	sadd.s32 s2, s6  }
0x7: {  	_ =	strace $0x80000047;
	s19 =	sadd.s32 s4, s5;
	[dreg:$0x4] =	wrdreg s2  }
0x8: {  	s20 =	sadd.s32 $0x400, s19;
	[dreg:$0xf] =	wrdreg s19  }
0x9: {  	s21 =	sadd.s32 $0x2000, s19;
	[dreg:$0x5] =	wrdreg s20  }
0xa: {  	s18 =	simm.s32 $0x1;
	s22 =	sadd.s32 $0x3C00, s19;
	[dreg:$0x6] =	wrdreg s21  }
0xb: {  	s7 =	sadd.s32 $0x300, s1;
	s23 =	sadd.s32 $0x5800, s19;
	[dreg:$0x7] =	wrdreg s22  }
0xc: {  	s0 =	ssub.s32 $0x2, s0;
	s24 =	sadd.s32 $0x7400, s19;
	[dreg:$0x8] =	wrdreg s23  }
0xd: {  	s28 =	sshrl.u32 s0, $0x1;
	s25 =	sadd.s32 $0x9000, s19;
	[dreg:$0x9] =	wrdreg s24  }
0xe: {  	s0 =	ssub.s32 s0, s28;
	s26 =	sadd.s32 $0xAC00, s19;
	[dreg:$0xa] =	wrdreg s25  }
0xf: {  	s5 =	sadd.s32 $0x100, s1;
	s29 =	sadd.s32 $0xC800, s19;
	[dreg:$0xb] =	wrdreg s26  }
0x10: {  	v2 =	vlaneseq.u32;
	s6 =	sadd.s32 $0x200, s1;
	s30 =	sadd.s32 $0xE400, s19;
	[dreg:$0xc] =	wrdreg s29  }
0x11: {  	vm0 =	vmmov $0xffff;
	v1 =	vshrl.u32 v2, $0x3;
	s8 =	smax.u32 s0, $0x1;
	s31 =	sadd.s32 $0xFC00, s19;
	[dreg:$0xd] =	wrdreg s30  }
0x12: {  	v0 =	vand.u32 $0x7, v2;
	v2 =	vor.u32 $0x8, v2;
	v1 =	vmul.u32 $0x8, v1;
	s19 =	simm.s32 $0x2;
	s2 =	simm.s32 $0x200;
	[dreg:$0xe] =	wrdreg s31  }
.LBB2_1:
0x13: {  	s20 =	rddreg [dreg:$0x4];
	s30 =	simm.s32 $0x3  }
0x14: {  	[tilespmem:s3], [sflag:$0x3] =	stream.linear.gather [hbm4b:s20+s3], $0x200, $0x38;
	[tilespmem:$0x1C200] =	vst v63  }
0x15: {  	_ =	swait.ge [sflag:s30], $0x200  }
0x16: {  	[sflag:s30] =	ssyncset.done $0x0  }
0x17: {  	[sflag:s30] =	ssyncadd.s32 $0xFFFFFE00  }
0x18: {  	v3 =	vld.msk [tilespmem:$0x0], $0xff;
	_ =	sdelay $0x4  }
0x19: {  	v4 =	vshll.u32 v3, $0x3  }
0x1a: {  	v3 =	vand.u32 $0x7, v3;
	v4 =	vand.u32 $0xFFFFFFC0, v4  }
0x1b: {  	v3 =	vor.u32 v3, v4  }
0x1c: {  	v3 =	vperm.xlane v3, v0;
	_ =	sdelay $0x1  }
0x1d: {  	v3 =	vadd.s32 v1, v3;
	_ =	sdelay $0x4  }
0x1e: {  	[tilespmem:s2], [sflag:$0x1] =	stream.indirect_vreg.gather [hbm4b:s1+s3], $0x80, v3, vm0, $0xb8;
	[tilespmem:$0x1C200] =	vst v63  }
0x1f: {  	s0 =	simm.s32 $0xA00  }
0x20: {  	[tilespmem:s0], [sflag:$0x1] =	stream.indirect_vreg.gather [hbm4b:s5+s3], $0x80, v3, vm0, $0xb8;
	[tilespmem:$0x1C200] =	vst v63  }
0x21: {  	s31 =	simm.s32 $0x1200  }
0x22: {  	[tilespmem:s31], [sflag:$0x1] =	stream.indirect_vreg.gather [hbm4b:s6+s3], $0x80, v3, vm0, $0xb8;
	[tilespmem:$0x1C200] =	vst v63  }
0x23: {  	s4 =	simm.s32 $0x1A00  }
0x24: {  	[tilespmem:s4], [sflag:$0x1] =	stream.indirect_vreg.gather [hbm4b:s7+s3], $0x80, v3, vm0, $0xb8;
	[tilespmem:$0x1C200] =	vst v63  }
0x25: {  	v3 =	vld [tilespmem:$0x8];
	_ =	sdelay $0x4  }
0x26: {  	v28 =	vshll.u32 v3, $0x3  }
0x27: {  	v3 =	vand.u32 $0x7, v3;
	v4 =	vand.u32 $0xFFFFFFC0, v28  }
0x28: {  	v3 =	vor.u32 v3, v4  }
0x29: {  	v4 =	vperm.xlane v3, v0;
	_ =	sdelay $0x1  }
0x2a: {  	v4 =	vadd.s32 v1, v4;
	_ =	sdelay $0x3  }
0x2b: {  	s9 =	simm.s32 $0xE200  }
0x2c: {  	[tilespmem:s9], [sflag:$0x1] =	stream.indirect_vreg.gather [hbm4b:s1+s3], $0x80, v4, vm0, $0xb8;
	[tilespmem:$0x1C200] =	vst v63  }
0x2d: {  	s10 =	simm.s32 $0xEA00;
	v3 =	vperm.xlane v3, v2  }
0x2e: {  	[tilespmem:s10], [sflag:$0x1] =	stream.indirect_vreg.gather [hbm4b:s5+s3], $0x80, v4, vm0, $0xb8;
	[tilespmem:$0x1C200] =	vst v63  }
0x2f: {  	s14 =	simm.s32 $0xF200;
	v3 =	vadd.s32 v1, v3  }
0x30: {  	[tilespmem:s14], [sflag:$0x1] =	stream.indirect_vreg.gather [hbm4b:s6+s3], $0x80, v4, vm0, $0xb8;
	[tilespmem:$0x1C200] =	vst v63  }
0x31: {  	s15 =	simm.s32 $0xFA00  }
0x32: {  	[tilespmem:s15], [sflag:$0x1] =	stream.indirect_vreg.gather [hbm4b:s7+s3], $0x80, v4, vm0, $0xb8;
	[tilespmem:$0x1C200] =	vst v63  }
0x33: {  	s16 =	simm.s32 $0x10200  }
0x34: {  	[tilespmem:s16], [sflag:$0x1] =	stream.indirect_vreg.gather [hbm4b:s1+s3], $0x80, v3, vm0, $0xb8;
	[tilespmem:$0x1C200] =	vst v63  }
0x35: {  	s17 =	simm.s32 $0x10A00  }
0x36: {  	[tilespmem:s17], [sflag:$0x1] =	stream.indirect_vreg.gather [hbm4b:s5+s3], $0x80, v3, vm0, $0xb8;
	[tilespmem:$0x1C200] =	vst v63  }
0x37: {  	s20 =	simm.s32 $0x11200  }
0x38: {  	[tilespmem:s20], [sflag:$0x1] =	stream.indirect_vreg.gather [hbm4b:s6+s3], $0x80, v3, vm0, $0xb8;
	[tilespmem:$0x1C200] =	vst v63  }
0x39: {  	s21 =	simm.s32 $0x11A00  }
0x3a: {  	[tilespmem:s21], [sflag:$0x1] =	stream.indirect_vreg.gather [hbm4b:s7+s3], $0x80, v3, vm0, $0xb8;
	[tilespmem:$0x1C200] =	vst v63  }
0x3b: {  	v3 =	vld [tilespmem:$0x18];
	_ =	sdelay $0x4  }
0x3c: {  	v29 =	vshll.u32 v3, $0x3  }
0x3d: {  	v3 =	vand.u32 $0x7, v3;
	v4 =	vand.u32 $0xFFFFFFC0, v29  }
0x3e: {  	v3 =	vor.u32 v3, v4  }
0x3f: {  	v4 =	vperm.xlane v3, v0;
	_ =	sdelay $0x1  }
0x40: {  	v4 =	vadd.s32 v1, v4;
	_ =	sdelay $0x3  }
0x41: {  	s22 =	simm.s32 $0x12200  }
0x42: {  	[tilespmem:s22], [sflag:$0x1] =	stream.indirect_vreg.gather [hbm4b:s1+s3], $0x80, v4, vm0, $0xb8;
	[tilespmem:$0x1C200] =	vst v63  }
0x43: {  	s23 =	simm.s32 $0x12A00;
	v3 =	vperm.xlane v3, v2  }
0x44: {  	[tilespmem:s23], [sflag:$0x1] =	stream.indirect_vreg.gather [hbm4b:s5+s3], $0x80, v4, vm0, $0xb8;
	[tilespmem:$0x1C200] =	vst v63  }
0x45: {  	s24 =	simm.s32 $0x13200;
	v3 =	vadd.s32 v1, v3  }
0x46: {  	[tilespmem:s24], [sflag:$0x1] =	stream.indirect_vreg.gather [hbm4b:s6+s3], $0x80, v4, vm0, $0xb8;
	[tilespmem:$0x1C200] =	vst v63  }
0x47: {  	s25 =	simm.s32 $0x13A00  }
0x48: {  	[tilespmem:s25], [sflag:$0x1] =	stream.indirect_vreg.gather [hbm4b:s7+s3], $0x80, v4, vm0, $0xb8;
	[tilespmem:$0x1C200] =	vst v63  }
0x49: {  	s26 =	simm.s32 $0x14200  }
0x4a: {  	[tilespmem:s26], [sflag:$0x1] =	stream.indirect_vreg.gather [hbm4b:s1+s3], $0x80, v3, vm0, $0xb8;
	[tilespmem:$0x1C200] =	vst v63  }
0x4b: {  	s28 =	simm.s32 $0x14A00  }
0x4c: {  	[tilespmem:s28], [sflag:$0x1] =	stream.indirect_vreg.gather [hbm4b:s5+s3], $0x80, v3, vm0, $0xb8;
	[tilespmem:$0x1C200] =	vst v63  }
0x4d: {  	s29 =	simm.s32 $0x15200  }
0x4e: {  	[tilespmem:s29], [sflag:$0x1] =	stream.indirect_vreg.gather [hbm4b:s6+s3], $0x80, v3, vm0, $0xb8;
	[tilespmem:$0x1C200] =	vst v63  }
0x4f: {  	s30 =	simm.s32 $0x15A00  }
0x50: {  	[tilespmem:s30], [sflag:$0x1] =	stream.indirect_vreg.gather [hbm4b:s7+s3], $0x80, v3, vm0, $0xb8;
	[tilespmem:$0x1C200] =	vst v63  }
0x51: {  	v3 =	vld [tilespmem:$0x28];
	_ =	sdelay $0x4  }
0x52: {  	v30 =	vshll.u32 v3, $0x3  }
0x53: {  	v3 =	vand.u32 $0x7, v3;
	v4 =	vand.u32 $0xFFFFFFC0, v30  }
0x54: {  	v3 =	vor.u32 v3, v4  }
0x55: {  	v4 =	vperm.xlane v3, v0;
	_ =	sdelay $0x1  }
0x56: {  	v4 =	vadd.s32 v1, v4;
	_ =	sdelay $0x3  }
0x57: {  	s31 =	simm.s32 $0x16200  }
0x58: {  	[tilespmem:s31], [sflag:$0x1] =	stream.indirect_vreg.gather [hbm4b:s1+s3], $0x80, v4, vm0, $0xb8;
	[tilespmem:$0x1C200] =	vst v63  }
0x59: {  	s9 =	simm.s32 $0x16A00;
	v3 =	vperm.xlane v3, v2  }
0x5a: {  	[tilespmem:s9], [sflag:$0x1] =	stream.indirect_vreg.gather [hbm4b:s5+s3], $0x80, v4, vm0, $0xb8;
	[tilespmem:$0x1C200] =	vst v63  }
0x5b: {  	s10 =	simm.s32 $0x17200;
	v3 =	vadd.s32 v1, v3  }
0x5c: {  	[tilespmem:s10], [sflag:$0x1] =	stream.indirect_vreg.gather [hbm4b:s6+s3], $0x80, v4, vm0, $0xb8;
	[tilespmem:$0x1C200] =	vst v63  }
0x5d: {  	s14 =	simm.s32 $0x17A00  }
0x5e: {  	[tilespmem:s14], [sflag:$0x1] =	stream.indirect_vreg.gather [hbm4b:s7+s3], $0x80, v4, vm0, $0xb8;
	[tilespmem:$0x1C200] =	vst v63  }
0x5f: {  	s16 =	simm.s32 $0x18200  }
0x60: {  	[tilespmem:s16], [sflag:$0x1] =	stream.indirect_vreg.gather [hbm4b:s1+s3], $0x80, v3, vm0, $0xb8;
	[tilespmem:$0x1C200] =	vst v63  }
0x61: {  	s17 =	simm.s32 $0x18A00  }
0x62: {  	[tilespmem:s17], [sflag:$0x1] =	stream.indirect_vreg.gather [hbm4b:s5+s3], $0x80, v3, vm0, $0xb8;
	[tilespmem:$0x1C200] =	vst v63  }
0x63: {  	s20 =	simm.s32 $0x19200  }
0x64: {  	[tilespmem:s20], [sflag:$0x1] =	stream.indirect_vreg.gather [hbm4b:s6+s3], $0x80, v3, vm0, $0xb8;
	[tilespmem:$0x1C200] =	vst v63  }
0x65: {  	s21 =	simm.s32 $0x19A00  }
0x66: {  	[tilespmem:s21], [sflag:$0x1] =	stream.indirect_vreg.gather [hbm4b:s7+s3], $0x80, v3, vm0, $0xb8;
	[tilespmem:$0x1C200] =	vst v63  }
0x67: {  	v3 =	vld.msk [tilespmem:$0x38], $0xff;
	_ =	sdelay $0x4  }
0x68: {  	v31 =	vshll.u32 v3, $0x3  }
0x69: {  	v3 =	vand.u32 $0x7, v3;
	v4 =	vand.u32 $0xFFFFFFC0, v31  }
0x6a: {  	v3 =	vor.u32 v3, v4  }
0x6b: {  	v3 =	vperm.xlane v3, v0;
	_ =	sdelay $0x1  }
0x6c: {  	v3 =	vadd.s32 v1, v3;
	_ =	sdelay $0x3  }
0x6d: {  	s24 =	simm.s32 $0x1A200  }
0x6e: {  	[tilespmem:s24], [sflag:$0x1] =	stream.indirect_vreg.gather [hbm4b:s1+s3], $0x80, v3, vm0, $0xb8;
	[tilespmem:$0x1C200] =	vst v63  }
0x6f: {  	s25 =	simm.s32 $0x1AA00  }
0x70: {  	[tilespmem:s25], [sflag:$0x1] =	stream.indirect_vreg.gather [hbm4b:s5+s3], $0x80, v3, vm0, $0xb8;
	[tilespmem:$0x1C200] =	vst v63  }
0x71: {  	s26 =	simm.s32 $0x1B200  }
0x72: {  	[tilespmem:s26], [sflag:$0x1] =	stream.indirect_vreg.gather [hbm4b:s6+s3], $0x80, v3, vm0, $0xb8;
	[tilespmem:$0x1C200] =	vst v63  }
0x73: {  	s31 =	simm.s32 $0x1BA00  }
0x74: {  	[tilespmem:s31], [sflag:$0x1] =	stream.indirect_vreg.gather [hbm4b:s7+s3], $0x80, v3, vm0, $0xb8;
	[tilespmem:$0x1C200] =	vst v63  }
0x75: {  	_ =	swait.ge [sflag:s18], $0x2000  }
0x76: {  	[sflag:s18] =	ssyncset.done $0x0  }
0x77: {  	s0 =	rddreg [dreg:$0xf];
	[sflag:s18] =	ssyncadd.s32 $0xFFFFE000  }
0x78: {  	[hbm4b:s0+s3] =	stream.linear.scatter [tilespmem:s2], [sflag:$0x2], $0x2000, $0x38;
	[tilespmem:$0x1C200] =	vst v63  }
0x79: {  	_ =	swait.ge [sflag:s19], $0x2000  }
0x7a: {  	[sflag:s19] =	ssyncset.done $0x0  }
0x7b: {  	[sflag:s19] =	ssyncadd.s32 $0xFFFFE000  }
0x7c: {  	v3 =	vld [tilespmem:$0x40];
	_ =	sdelay $0x4  }
0x7d: {  	v32 =	vshll.u32 v3, $0x3  }
0x7e: {  	v3 =	vand.u32 $0x7, v3;
	v4 =	vand.u32 $0xFFFFFFC0, v32  }
0x7f: {  	v3 =	vor.u32 v3, v4  }
0x80: {  	v4 =	vperm.xlane v3, v0;
	_ =	sdelay $0x1  }
0x81: {  	v4 =	vadd.s32 v1, v4;
	_ =	sdelay $0x4  }
0x82: {  	[tilespmem:s2], [sflag:$0x1] =	stream.indirect_vreg.gather [hbm4b:s1+s3], $0x80, v4, vm0, $0xb8;
	[tilespmem:$0x1C200] =	vst v63  }
0x83: {  	s11 =	simm.s32 $0xA00;
	v3 =	vperm.xlane v3, v2  }
0x84: {  	[tilespmem:s11], [sflag:$0x1] =	stream.indirect_vreg.gather [hbm4b:s5+s3], $0x80, v4, vm0, $0xb8;
	[tilespmem:$0x1C200] =	vst v63  }
0x85: {  	s12 =	simm.s32 $0x1200;
	v3 =	vadd.s32 v1, v3  }
0x86: {  	[tilespmem:s12], [sflag:$0x1] =	stream.indirect_vreg.gather [hbm4b:s6+s3], $0x80, v4, vm0, $0xb8;
	[tilespmem:$0x1C200] =	vst v63  }
0x87: {  	s13 =	simm.s32 $0x1A00  }
0x88: {  	[tilespmem:s13], [sflag:$0x1] =	stream.indirect_vreg.gather [hbm4b:s7+s3], $0x80, v4, vm0, $0xb8;
	[tilespmem:$0x1C200] =	vst v63  }
0x89: {  	s9 =	simm.s32 $0x2200  }
0x8a: {  	[tilespmem:s9], [sflag:$0x1] =	stream.indirect_vreg.gather [hbm4b:s1+s3], $0x80, v3, vm0, $0xb8;
	[tilespmem:$0x1C200] =	vst v63  }
0x8b: {  	s11 =	simm.s32 $0x2A00  }
0x8c: {  	[tilespmem:s11], [sflag:$0x1] =	stream.indirect_vreg.gather [hbm4b:s5+s3], $0x80, v3, vm0, $0xb8;
	[tilespmem:$0x1C200] =	vst v63  }
0x8d: {  	s14 =	simm.s32 $0x3200  }
0x8e: {  	[tilespmem:s14], [sflag:$0x1] =	stream.indirect_vreg.gather [hbm4b:s6+s3], $0x80, v3, vm0, $0xb8;
	[tilespmem:$0x1C200] =	vst v63  }
0x8f: {  	s20 =	simm.s32 $0x3A00  }
0x90: {  	[tilespmem:s20], [sflag:$0x1] =	stream.indirect_vreg.gather [hbm4b:s7+s3], $0x80, v3, vm0, $0xb8;
	[tilespmem:$0x1C200] =	vst v63  }
0x91: {  	v3 =	vld [tilespmem:$0x50];
	_ =	sdelay $0x4  }
0x92: {  	v33 =	vshll.u32 v3, $0x3  }
0x93: {  	v3 =	vand.u32 $0x7, v3;
	v4 =	vand.u32 $0xFFFFFFC0, v33  }
0x94: {  	v3 =	vor.u32 v3, v4  }
0x95: {  	v4 =	vperm.xlane v3, v0;
	_ =	sdelay $0x1  }
0x96: {  	v4 =	vadd.s32 v1, v4;
	_ =	sdelay $0x3  }
0x97: {  	s24 =	simm.s32 $0x4200  }
0x98: {  	[tilespmem:s24], [sflag:$0x1] =	stream.indirect_vreg.gather [hbm4b:s1+s3], $0x80, v4, vm0, $0xb8;
	[tilespmem:$0x1C200] =	vst v63  }
0x99: {  	s25 =	simm.s32 $0x4A00;
	v3 =	vperm.xlane v3, v2  }
0x9a: {  	[tilespmem:s25], [sflag:$0x1] =	stream.indirect_vreg.gather [hbm4b:s5+s3], $0x80, v4, vm0, $0xb8;
	[tilespmem:$0x1C200] =	vst v63  }
0x9b: {  	s26 =	simm.s32 $0x5200;
	v3 =	vadd.s32 v1, v3  }
0x9c: {  	[tilespmem:s26], [sflag:$0x1] =	stream.indirect_vreg.gather [hbm4b:s6+s3], $0x80, v4, vm0, $0xb8;
	[tilespmem:$0x1C200] =	vst v63  }
0x9d: {  	s31 =	simm.s32 $0x5A00  }
0x9e: {  	[tilespmem:s31], [sflag:$0x1] =	stream.indirect_vreg.gather [hbm4b:s7+s3], $0x80, v4, vm0, $0xb8;
	[tilespmem:$0x1C200] =	vst v63  }
0x9f: {  	s9 =	simm.s32 $0x6200  }
0xa0: {  	[tilespmem:s9], [sflag:$0x1] =	stream.indirect_vreg.gather [hbm4b:s1+s3], $0x80, v3, vm0, $0xb8;
	[tilespmem:$0x1C200] =	vst v63  }
0xa1: {  	s11 =	simm.s32 $0x6A00  }
0xa2: {  	[tilespmem:s11], [sflag:$0x1] =	stream.indirect_vreg.gather [hbm4b:s5+s3], $0x80, v3, vm0, $0xb8;
	[tilespmem:$0x1C200] =	vst v63  }
0xa3: {  	s14 =	simm.s32 $0x7200  }
0xa4: {  	[tilespmem:s14], [sflag:$0x1] =	stream.indirect_vreg.gather [hbm4b:s6+s3], $0x80, v3, vm0, $0xb8;
	[tilespmem:$0x1C200] =	vst v63  }
0xa5: {  	s20 =	simm.s32 $0x7A00  }
0xa6: {  	[tilespmem:s20], [sflag:$0x1] =	stream.indirect_vreg.gather [hbm4b:s7+s3], $0x80, v3, vm0, $0xb8;
	[tilespmem:$0x1C200] =	vst v63  }
0xa7: {  	v3 =	vld [tilespmem:$0x60];
	_ =	sdelay $0x4  }
0xa8: {  	v34 =	vshll.u32 v3, $0x3  }
0xa9: {  	v3 =	vand.u32 $0x7, v3;
	v4 =	vand.u32 $0xFFFFFFC0, v34  }
0xaa: {  	v3 =	vor.u32 v3, v4  }
0xab: {  	v4 =	vperm.xlane v3, v0;
	_ =	sdelay $0x1  }
0xac: {  	v4 =	vadd.s32 v1, v4;
	_ =	sdelay $0x3  }
0xad: {  	s24 =	simm.s32 $0x8200  }
0xae: {  	[tilespmem:s24], [sflag:$0x1] =	stream.indirect_vreg.gather [hbm4b:s1+s3], $0x80, v4, vm0, $0xb8;
	[tilespmem:$0x1C200] =	vst v63  }
0xaf: {  	s25 =	simm.s32 $0x8A00;
	v3 =	vperm.xlane v3, v2  }
0xb0: {  	[tilespmem:s25], [sflag:$0x1] =	stream.indirect_vreg.gather [hbm4b:s5+s3], $0x80, v4, vm0, $0xb8;
	[tilespmem:$0x1C200] =	vst v63  }
0xb1: {  	s26 =	simm.s32 $0x9200;
	v3 =	vadd.s32 v1, v3  }
0xb2: {  	[tilespmem:s26], [sflag:$0x1] =	stream.indirect_vreg.gather [hbm4b:s6+s3], $0x80, v4, vm0, $0xb8;
	[tilespmem:$0x1C200] =	vst v63  }
0xb3: {  	s31 =	simm.s32 $0x9A00  }
0xb4: {  	[tilespmem:s31], [sflag:$0x1] =	stream.indirect_vreg.gather [hbm4b:s7+s3], $0x80, v4, vm0, $0xb8;
	[tilespmem:$0x1C200] =	vst v63  }
0xb5: {  	s9 =	simm.s32 $0xA200  }
0xb6: {  	[tilespmem:s9], [sflag:$0x1] =	stream.indirect_vreg.gather [hbm4b:s1+s3], $0x80, v3, vm0, $0xb8;
	[tilespmem:$0x1C200] =	vst v63  }
0xb7: {  	s11 =	simm.s32 $0xAA00  }
0xb8: {  	[tilespmem:s11], [sflag:$0x1] =	stream.indirect_vreg.gather [hbm4b:s5+s3], $0x80, v3, vm0, $0xb8;
	[tilespmem:$0x1C200] =	vst v63  }
0xb9: {  	s14 =	simm.s32 $0xB200  }
0xba: {  	[tilespmem:s14], [sflag:$0x1] =	stream.indirect_vreg.gather [hbm4b:s6+s3], $0x80, v3, vm0, $0xb8;
	[tilespmem:$0x1C200] =	vst v63  }
0xbb: {  	s20 =	simm.s32 $0xBA00  }
0xbc: {  	[tilespmem:s20], [sflag:$0x1] =	stream.indirect_vreg.gather [hbm4b:s7+s3], $0x80, v3, vm0, $0xb8;
	[tilespmem:$0x1C200] =	vst v63  }
0xbd: {  	v3 =	vld.msk [tilespmem:$0x70], $0xff;
	_ =	sdelay $0x4  }
0xbe: {  	v35 =	vshll.u32 v3, $0x3  }
0xbf: {  	v3 =	vand.u32 $0x7, v3;
	v4 =	vand.u32 $0xFFFFFFC0, v35  }
0xc0: {  	v3 =	vor.u32 v3, v4  }
0xc1: {  	v3 =	vperm.xlane v3, v0;
	_ =	sdelay $0x1  }
0xc2: {  	v3 =	vadd.s32 v1, v3;
	_ =	sdelay $0x3  }
0xc3: {  	s24 =	simm.s32 $0xC200  }
0xc4: {  	[tilespmem:s24], [sflag:$0x1] =	stream.indirect_vreg.gather [hbm4b:s1+s3], $0x80, v3, vm0, $0xb8;
	[tilespmem:$0x1C200] =	vst v63  }
0xc5: {  	s25 =	simm.s32 $0xCA00  }
0xc6: {  	[tilespmem:s25], [sflag:$0x1] =	stream.indirect_vreg.gather [hbm4b:s5+s3], $0x80, v3, vm0, $0xb8;
	[tilespmem:$0x1C200] =	vst v63  }
0xc7: {  	s26 =	simm.s32 $0xD200  }
0xc8: {  	[tilespmem:s26], [sflag:$0x1] =	stream.indirect_vreg.gather [hbm4b:s6+s3], $0x80, v3, vm0, $0xb8;
	[tilespmem:$0x1C200] =	vst v63  }
0xc9: {  	s31 =	simm.s32 $0xDA00  }
0xca: {  	[tilespmem:s31], [sflag:$0x1] =	stream.indirect_vreg.gather [hbm4b:s7+s3], $0x80, v3, vm0, $0xb8;
	[tilespmem:$0x1C200] =	vst v63  }
0xcb: {  	_ =	swait.ge [sflag:s18], $0xE000  }
0xcc: {  	[sflag:s18] =	ssyncset.done $0x0  }
0xcd: {  	s11 =	simm.s32 $0xE200;
	s9 =	rddreg [dreg:$0x5];
	[sflag:s18] =	ssyncadd.s32 $0xFFFF2000  }
0xce: {  	[hbm4b:s9+s3] =	stream.linear.scatter [tilespmem:s11], [sflag:$0x2], $0xE000, $0x38;
	[tilespmem:$0x1C200] =	vst v63  }
0xcf: {  	_ =	swait.ge [sflag:s19], $0xE000  }
0xd0: {  	[sflag:s19] =	ssyncset.done $0x0  }
0xd1: {  	[sflag:s19] =	ssyncadd.s32 $0xFFFF2000  }
0xd2: {  	v3 =	vld [tilespmem:$0x78];
	_ =	sdelay $0x4  }
0xd3: {  	v36 =	vshll.u32 v3, $0x3  }
0xd4: {  	v3 =	vand.u32 $0x7, v3;
	v4 =	vand.u32 $0xFFFFFFC0, v36  }
0xd5: {  	v3 =	vor.u32 v3, v4  }
0xd6: {  	v4 =	vperm.xlane v3, v0;
	_ =	sdelay $0x1  }
0xd7: {  	v4 =	vadd.s32 v1, v4;
	_ =	sdelay $0x4  }
0xd8: {  	[tilespmem:s11], [sflag:$0x1] =	stream.indirect_vreg.gather [hbm4b:s1+s3], $0x80, v4, vm0, $0xb8;
	[tilespmem:$0x1C200] =	vst v63  }
0xd9: {  	s4 =	simm.s32 $0xEA00;
	v3 =	vperm.xlane v3, v2  }
0xda: {  	[tilespmem:s4], [sflag:$0x1] =	stream.indirect_vreg.gather [hbm4b:s5+s3], $0x80, v4, vm0, $0xb8;
	[tilespmem:$0x1C200] =	vst v63  }
0xdb: {  	s14 =	simm.s32 $0xF200;
	v3 =	vadd.s32 v1, v3  }
0xdc: {  	[tilespmem:s14], [sflag:$0x1] =	stream.indirect_vreg.gather [hbm4b:s6+s3], $0x80, v4, vm0, $0xb8;
	[tilespmem:$0x1C200] =	vst v63  }
0xdd: {  	s11 =	simm.s32 $0xFA00  }
0xde: {  	[tilespmem:s11], [sflag:$0x1] =	stream.indirect_vreg.gather [hbm4b:s7+s3], $0x80, v4, vm0, $0xb8;
	[tilespmem:$0x1C200] =	vst v63  }
0xdf: {  	s4 =	simm.s32 $0x10200  }
0xe0: {  	[tilespmem:s4], [sflag:$0x1] =	stream.indirect_vreg.gather [hbm4b:s1+s3], $0x80, v3, vm0, $0xb8;
	[tilespmem:$0x1C200] =	vst v63  }
0xe1: {  	s9 =	simm.s32 $0x10A00  }
0xe2: {  	[tilespmem:s9], [sflag:$0x1] =	stream.indirect_vreg.gather [hbm4b:s5+s3], $0x80, v3, vm0, $0xb8;
	[tilespmem:$0x1C200] =	vst v63  }
0xe3: {  	s14 =	simm.s32 $0x11200  }
0xe4: {  	[tilespmem:s14], [sflag:$0x1] =	stream.indirect_vreg.gather [hbm4b:s6+s3], $0x80, v3, vm0, $0xb8;
	[tilespmem:$0x1C200] =	vst v63  }
0xe5: {  	s15 =	simm.s32 $0x11A00  }
0xe6: {  	[tilespmem:s15], [sflag:$0x1] =	stream.indirect_vreg.gather [hbm4b:s7+s3], $0x80, v3, vm0, $0xb8;
	[tilespmem:$0x1C200] =	vst v63  }
0xe7: {  	v3 =	vld [tilespmem:$0x88];
	_ =	sdelay $0x4  }
0xe8: {  	v37 =	vshll.u32 v3, $0x3  }
0xe9: {  	v3 =	vand.u32 $0x7, v3;
	v4 =	vand.u32 $0xFFFFFFC0, v37  }
0xea: {  	v3 =	vor.u32 v3, v4  }
0xeb: {  	v4 =	vperm.xlane v3, v0;
	_ =	sdelay $0x1  }
0xec: {  	v4 =	vadd.s32 v1, v4;
	_ =	sdelay $0x3  }
0xed: {  	s22 =	simm.s32 $0x12200  }
0xee: {  	[tilespmem:s22], [sflag:$0x1] =	stream.indirect_vreg.gather [hbm4b:s1+s3], $0x80, v4, vm0, $0xb8;
	[tilespmem:$0x1C200] =	vst v63  }
0xef: {  	s23 =	simm.s32 $0x12A00;
	v3 =	vperm.xlane v3, v2  }
0xf0: {  	[tilespmem:s23], [sflag:$0x1] =	stream.indirect_vreg.gather [hbm4b:s5+s3], $0x80, v4, vm0, $0xb8;
	[tilespmem:$0x1C200] =	vst v63  }
0xf1: {  	v3 =	vadd.s32 v1, v3;
	s22 =	simm.s32 $0x13200  }
0xf2: {  	[tilespmem:s22], [sflag:$0x1] =	stream.indirect_vreg.gather [hbm4b:s6+s3], $0x80, v4, vm0, $0xb8;
	[tilespmem:$0x1C200] =	vst v63  }
0xf3: {  	s23 =	simm.s32 $0x13A00  }
0xf4: {  	[tilespmem:s23], [sflag:$0x1] =	stream.indirect_vreg.gather [hbm4b:s7+s3], $0x80, v4, vm0, $0xb8;
	[tilespmem:$0x1C200] =	vst v63  }
0xf5: {  	s24 =	simm.s32 $0x14200  }
0xf6: {  	[tilespmem:s24], [sflag:$0x1] =	stream.indirect_vreg.gather [hbm4b:s1+s3], $0x80, v3, vm0, $0xb8;
	[tilespmem:$0x1C200] =	vst v63  }
0xf7: {  	s25 =	simm.s32 $0x14A00  }
0xf8: {  	[tilespmem:s25], [sflag:$0x1] =	stream.indirect_vreg.gather [hbm4b:s5+s3], $0x80, v3, vm0, $0xb8;
	[tilespmem:$0x1C200] =	vst v63  }
0xf9: {  	s26 =	simm.s32 $0x15200  }
0xfa: {  	[tilespmem:s26], [sflag:$0x1] =	stream.indirect_vreg.gather [hbm4b:s6+s3], $0x80, v3, vm0, $0xb8;
	[tilespmem:$0x1C200] =	vst v63  }
0xfb: {  	s28 =	simm.s32 $0x15A00  }
0xfc: {  	[tilespmem:s28], [sflag:$0x1] =	stream.indirect_vreg.gather [hbm4b:s7+s3], $0x80, v3, vm0, $0xb8;
	[tilespmem:$0x1C200] =	vst v63  }
0xfd: {  	v3 =	vld [tilespmem:$0x98];
	_ =	sdelay $0x4  }
0xfe: {  	v38 =	vshll.u32 v3, $0x3  }
0xff: {  	v3 =	vand.u32 $0x7, v3;
	v4 =	vand.u32 $0xFFFFFFC0, v38  }
0x100: {  	v3 =	vor.u32 v3, v4  }
0x101: {  	v4 =	vperm.xlane v3, v0;
	_ =	sdelay $0x1  }
0x102: {  	v4 =	vadd.s32 v1, v4;
	_ =	sdelay $0x3  }
0x103: {  	s29 =	simm.s32 $0x16200  }
0x104: {  	[tilespmem:s29], [sflag:$0x1] =	stream.indirect_vreg.gather [hbm4b:s1+s3], $0x80, v4, vm0, $0xb8;
	[tilespmem:$0x1C200] =	vst v63  }
0x105: {  	s30 =	simm.s32 $0x16A00;
	v3 =	vperm.xlane v3, v2  }
0x106: {  	[tilespmem:s30], [sflag:$0x1] =	stream.indirect_vreg.gather [hbm4b:s5+s3], $0x80, v4, vm0, $0xb8;
	[tilespmem:$0x1C200] =	vst v63  }
0x107: {  	s28 =	simm.s32 $0x17200;
	v3 =	vadd.s32 v1, v3  }
0x108: {  	[tilespmem:s28], [sflag:$0x1] =	stream.indirect_vreg.gather [hbm4b:s6+s3], $0x80, v4, vm0, $0xb8;
	[tilespmem:$0x1C200] =	vst v63  }
0x109: {  	s29 =	simm.s32 $0x17A00  }
0x10a: {  	[tilespmem:s29], [sflag:$0x1] =	stream.indirect_vreg.gather [hbm4b:s7+s3], $0x80, v4, vm0, $0xb8;
	[tilespmem:$0x1C200] =	vst v63  }
0x10b: {  	s30 =	simm.s32 $0x18200  }
0x10c: {  	[tilespmem:s30], [sflag:$0x1] =	stream.indirect_vreg.gather [hbm4b:s1+s3], $0x80, v3, vm0, $0xb8;
	[tilespmem:$0x1C200] =	vst v63  }
0x10d: {  	s31 =	simm.s32 $0x18A00  }
0x10e: {  	[tilespmem:s31], [sflag:$0x1] =	stream.indirect_vreg.gather [hbm4b:s5+s3], $0x80, v3, vm0, $0xb8;
	[tilespmem:$0x1C200] =	vst v63  }
0x10f: {  	s15 =	simm.s32 $0x19200  }
0x110: {  	[tilespmem:s15], [sflag:$0x1] =	stream.indirect_vreg.gather [hbm4b:s6+s3], $0x80, v3, vm0, $0xb8;
	[tilespmem:$0x1C200] =	vst v63  }
0x111: {  	s16 =	simm.s32 $0x19A00  }
0x112: {  	[tilespmem:s16], [sflag:$0x1] =	stream.indirect_vreg.gather [hbm4b:s7+s3], $0x80, v3, vm0, $0xb8;
	[tilespmem:$0x1C200] =	vst v63  }
0x113: {  	v3 =	vld.msk [tilespmem:$0xA8], $0xff;
	_ =	sdelay $0x4  }
0x114: {  	v39 =	vshll.u32 v3, $0x3  }
0x115: {  	v3 =	vand.u32 $0x7, v3;
	v4 =	vand.u32 $0xFFFFFFC0, v39  }
0x116: {  	v3 =	vor.u32 v3, v4  }
0x117: {  	v3 =	vperm.xlane v3, v0;
	_ =	sdelay $0x1  }
0x118: {  	v3 =	vadd.s32 v1, v3;
	_ =	sdelay $0x3  }
0x119: {  	s20 =	simm.s32 $0x1A200  }
0x11a: {  	[tilespmem:s20], [sflag:$0x1] =	stream.indirect_vreg.gather [hbm4b:s1+s3], $0x80, v3, vm0, $0xb8;
	[tilespmem:$0x1C200] =	vst v63  }
0x11b: {  	s17 =	simm.s32 $0x1AA00  }
0x11c: {  	[tilespmem:s17], [sflag:$0x1] =	stream.indirect_vreg.gather [hbm4b:s5+s3], $0x80, v3, vm0, $0xb8;
	[tilespmem:$0x1C200] =	vst v63  }
0x11d: {  	s21 =	simm.s32 $0x1B200  }
0x11e: {  	[tilespmem:s21], [sflag:$0x1] =	stream.indirect_vreg.gather [hbm4b:s6+s3], $0x80, v3, vm0, $0xb8;
	[tilespmem:$0x1C200] =	vst v63  }
0x11f: {  	s10 =	simm.s32 $0x1BA00  }
0x120: {  	[tilespmem:s10], [sflag:$0x1] =	stream.indirect_vreg.gather [hbm4b:s7+s3], $0x80, v3, vm0, $0xb8;
	[tilespmem:$0x1C200] =	vst v63  }
0x121: {  	_ =	swait.ge [sflag:s18], $0xE000  }
0x122: {  	[sflag:s18] =	ssyncset.done $0x0  }
0x123: {  	s10 =	rddreg [dreg:$0x6];
	[sflag:s18] =	ssyncadd.s32 $0xFFFF2000  }
0x124: {  	[hbm4b:s10+s3] =	stream.linear.scatter [tilespmem:s2], [sflag:$0x2], $0xE000, $0x38;
	[tilespmem:$0x1C200] =	vst v63  }
0x125: {  	_ =	swait.ge [sflag:s19], $0xE000  }
0x126: {  	[sflag:s19] =	ssyncset.done $0x0  }
0x127: {  	[sflag:s19] =	ssyncadd.s32 $0xFFFF2000  }
0x128: {  	v3 =	vld [tilespmem:$0xB0];
	_ =	sdelay $0x4  }
0x129: {  	v40 =	vshll.u32 v3, $0x3  }
0x12a: {  	v3 =	vand.u32 $0x7, v3;
	v4 =	vand.u32 $0xFFFFFFC0, v40  }
0x12b: {  	v3 =	vor.u32 v3, v4  }
0x12c: {  	v4 =	vperm.xlane v3, v0;
	_ =	sdelay $0x1  }
0x12d: {  	v4 =	vadd.s32 v1, v4;
	_ =	sdelay $0x4  }
0x12e: {  	[tilespmem:s2], [sflag:$0x1] =	stream.indirect_vreg.gather [hbm4b:s1+s3], $0x80, v4, vm0, $0xb8;
	[tilespmem:$0x1C200] =	vst v63  }
0x12f: {  	s16 =	simm.s32 $0xA00;
	v3 =	vperm.xlane v3, v2  }
0x130: {  	[tilespmem:s16], [sflag:$0x1] =	stream.indirect_vreg.gather [hbm4b:s5+s3], $0x80, v4, vm0, $0xb8;
	[tilespmem:$0x1C200] =	vst v63  }
0x131: {  	s12 =	simm.s32 $0x1200;
	v3 =	vadd.s32 v1, v3  }
0x132: {  	[tilespmem:s12], [sflag:$0x1] =	stream.indirect_vreg.gather [hbm4b:s6+s3], $0x80, v4, vm0, $0xb8;
	[tilespmem:$0x1C200] =	vst v63  }
0x133: {  	s13 =	simm.s32 $0x1A00  }
0x134: {  	[tilespmem:s13], [sflag:$0x1] =	stream.indirect_vreg.gather [hbm4b:s7+s3], $0x80, v4, vm0, $0xb8;
	[tilespmem:$0x1C200] =	vst v63  }
0x135: {  	s12 =	simm.s32 $0x2200  }
0x136: {  	[tilespmem:s12], [sflag:$0x1] =	stream.indirect_vreg.gather [hbm4b:s1+s3], $0x80, v3, vm0, $0xb8;
	[tilespmem:$0x1C200] =	vst v63  }
0x137: {  	s13 =	simm.s32 $0x2A00  }
0x138: {  	[tilespmem:s13], [sflag:$0x1] =	stream.indirect_vreg.gather [hbm4b:s5+s3], $0x80, v3, vm0, $0xb8;
	[tilespmem:$0x1C200] =	vst v63  }
0x139: {  	s16 =	simm.s32 $0x3200  }
0x13a: {  	[tilespmem:s16], [sflag:$0x1] =	stream.indirect_vreg.gather [hbm4b:s6+s3], $0x80, v3, vm0, $0xb8;
	[tilespmem:$0x1C200] =	vst v63  }
0x13b: {  	s17 =	simm.s32 $0x3A00  }
0x13c: {  	[tilespmem:s17], [sflag:$0x1] =	stream.indirect_vreg.gather [hbm4b:s7+s3], $0x80, v3, vm0, $0xb8;
	[tilespmem:$0x1C200] =	vst v63  }
0x13d: {  	v3 =	vld [tilespmem:$0xC0];
	_ =	sdelay $0x4  }
0x13e: {  	v41 =	vshll.u32 v3, $0x3  }
0x13f: {  	v3 =	vand.u32 $0x7, v3;
	v4 =	vand.u32 $0xFFFFFFC0, v41  }
0x140: {  	v3 =	vor.u32 v3, v4  }
0x141: {  	v4 =	vperm.xlane v3, v0;
	_ =	sdelay $0x1  }
0x142: {  	v4 =	vadd.s32 v1, v4;
	_ =	sdelay $0x3  }
0x143: {  	s20 =	simm.s32 $0x4200  }
0x144: {  	[tilespmem:s20], [sflag:$0x1] =	stream.indirect_vreg.gather [hbm4b:s1+s3], $0x80, v4, vm0, $0xb8;
	[tilespmem:$0x1C200] =	vst v63  }
0x145: {  	s21 =	simm.s32 $0x4A00;
	v3 =	vperm.xlane v3, v2  }
0x146: {  	[tilespmem:s21], [sflag:$0x1] =	stream.indirect_vreg.gather [hbm4b:s5+s3], $0x80, v4, vm0, $0xb8;
	[tilespmem:$0x1C200] =	vst v63  }
0x147: {  	v3 =	vadd.s32 v1, v3;
	s21 =	simm.s32 $0x5200  }
0x148: {  	[tilespmem:s21], [sflag:$0x1] =	stream.indirect_vreg.gather [hbm4b:s6+s3], $0x80, v4, vm0, $0xb8;
	[tilespmem:$0x1C200] =	vst v63  }
0x149: {  	s17 =	simm.s32 $0x5A00  }
0x14a: {  	[tilespmem:s17], [sflag:$0x1] =	stream.indirect_vreg.gather [hbm4b:s7+s3], $0x80, v4, vm0, $0xb8;
	[tilespmem:$0x1C200] =	vst v63  }
0x14b: {  	s10 =	simm.s32 $0x6200  }
0x14c: {  	[tilespmem:s10], [sflag:$0x1] =	stream.indirect_vreg.gather [hbm4b:s1+s3], $0x80, v3, vm0, $0xb8;
	[tilespmem:$0x1C200] =	vst v63  }
0x14d: {  	s20 =	simm.s32 $0x6A00  }
0x14e: {  	[tilespmem:s20], [sflag:$0x1] =	stream.indirect_vreg.gather [hbm4b:s5+s3], $0x80, v3, vm0, $0xb8;
	[tilespmem:$0x1C200] =	vst v63  }
0x14f: {  	s10 =	simm.s32 $0x7200  }
0x150: {  	[tilespmem:s10], [sflag:$0x1] =	stream.indirect_vreg.gather [hbm4b:s6+s3], $0x80, v3, vm0, $0xb8;
	[tilespmem:$0x1C200] =	vst v63  }
0x151: {  	s20 =	simm.s32 $0x7A00  }
0x152: {  	[tilespmem:s20], [sflag:$0x1] =	stream.indirect_vreg.gather [hbm4b:s7+s3], $0x80, v3, vm0, $0xb8;
	[tilespmem:$0x1C200] =	vst v63  }
0x153: {  	v3 =	vld [tilespmem:$0xD0];
	_ =	sdelay $0x4  }
0x154: {  	v42 =	vshll.u32 v3, $0x3  }
0x155: {  	v3 =	vand.u32 $0x7, v3;
	v4 =	vand.u32 $0xFFFFFFC0, v42  }
0x156: {  	v3 =	vor.u32 v3, v4  }
0x157: {  	v4 =	vperm.xlane v3, v0;
	_ =	sdelay $0x1  }
0x158: {  	v4 =	vadd.s32 v1, v4;
	_ =	sdelay $0x3  }
0x159: {  	s10 =	simm.s32 $0x8200  }
0x15a: {  	[tilespmem:s10], [sflag:$0x1] =	stream.indirect_vreg.gather [hbm4b:s1+s3], $0x80, v4, vm0, $0xb8;
	[tilespmem:$0x1C200] =	vst v63  }
0x15b: {  	s20 =	simm.s32 $0x8A00;
	v3 =	vperm.xlane v3, v2  }
0x15c: {  	[tilespmem:s20], [sflag:$0x1] =	stream.indirect_vreg.gather [hbm4b:s5+s3], $0x80, v4, vm0, $0xb8;
	[tilespmem:$0x1C200] =	vst v63  }
0x15d: {  	v3 =	vadd.s32 v1, v3;
	s10 =	simm.s32 $0x9200  }
0x15e: {  	[tilespmem:s10], [sflag:$0x1] =	stream.indirect_vreg.gather [hbm4b:s6+s3], $0x80, v4, vm0, $0xb8;
	[tilespmem:$0x1C200] =	vst v63  }
0x15f: {  	s20 =	simm.s32 $0x9A00  }
0x160: {  	[tilespmem:s20], [sflag:$0x1] =	stream.indirect_vreg.gather [hbm4b:s7+s3], $0x80, v4, vm0, $0xb8;
	[tilespmem:$0x1C200] =	vst v63  }
0x161: {  	s10 =	simm.s32 $0xA200  }
0x162: {  	[tilespmem:s10], [sflag:$0x1] =	stream.indirect_vreg.gather [hbm4b:s1+s3], $0x80, v3, vm0, $0xb8;
	[tilespmem:$0x1C200] =	vst v63  }
0x163: {  	s20 =	simm.s32 $0xAA00  }
0x164: {  	[tilespmem:s20], [sflag:$0x1] =	stream.indirect_vreg.gather [hbm4b:s5+s3], $0x80, v3, vm0, $0xb8;
	[tilespmem:$0x1C200] =	vst v63  }
0x165: {  	s10 =	simm.s32 $0xB200  }
0x166: {  	[tilespmem:s10], [sflag:$0x1] =	stream.indirect_vreg.gather [hbm4b:s6+s3], $0x80, v3, vm0, $0xb8;
	[tilespmem:$0x1C200] =	vst v63  }
0x167: {  	s20 =	simm.s32 $0xBA00  }
0x168: {  	[tilespmem:s20], [sflag:$0x1] =	stream.indirect_vreg.gather [hbm4b:s7+s3], $0x80, v3, vm0, $0xb8;
	[tilespmem:$0x1C200] =	vst v63  }
0x169: {  	v3 =	vld.msk [tilespmem:$0xE0], $0xff;
	_ =	sdelay $0x4  }
0x16a: {  	v43 =	vshll.u32 v3, $0x3  }
0x16b: {  	v3 =	vand.u32 $0x7, v3;
	v4 =	vand.u32 $0xFFFFFFC0, v43  }
0x16c: {  	v3 =	vor.u32 v3, v4  }
0x16d: {  	v3 =	vperm.xlane v3, v0;
	_ =	sdelay $0x1  }
0x16e: {  	v3 =	vadd.s32 v1, v3;
	_ =	sdelay $0x3  }
0x16f: {  	s10 =	simm.s32 $0xC200  }
0x170: {  	[tilespmem:s10], [sflag:$0x1] =	stream.indirect_vreg.gather [hbm4b:s1+s3], $0x80, v3, vm0, $0xb8;
	[tilespmem:$0x1C200] =	vst v63  }
0x171: {  	s20 =	simm.s32 $0xCA00  }
0x172: {  	[tilespmem:s20], [sflag:$0x1] =	stream.indirect_vreg.gather [hbm4b:s5+s3], $0x80, v3, vm0, $0xb8;
	[tilespmem:$0x1C200] =	vst v63  }
0x173: {  	s10 =	simm.s32 $0xD200  }
0x174: {  	[tilespmem:s10], [sflag:$0x1] =	stream.indirect_vreg.gather [hbm4b:s6+s3], $0x80, v3, vm0, $0xb8;
	[tilespmem:$0x1C200] =	vst v63  }
0x175: {  	s20 =	simm.s32 $0xDA00  }
0x176: {  	[tilespmem:s20], [sflag:$0x1] =	stream.indirect_vreg.gather [hbm4b:s7+s3], $0x80, v3, vm0, $0xb8;
	[tilespmem:$0x1C200] =	vst v63  }
0x177: {  	_ =	swait.ge [sflag:s18], $0xE000  }
0x178: {  	[sflag:s18] =	ssyncset.done $0x0  }
0x179: {  	s10 =	simm.s32 $0xE200;
	s0 =	rddreg [dreg:$0x7];
	[sflag:s18] =	ssyncadd.s32 $0xFFFF2000  }
0x17a: {  	[hbm4b:s0+s3] =	stream.linear.scatter [tilespmem:s10], [sflag:$0x2], $0xE000, $0x38;
	[tilespmem:$0x1C200] =	vst v63  }
0x17b: {  	_ =	swait.ge [sflag:s19], $0xE000  }
0x17c: {  	[sflag:s19] =	ssyncset.done $0x0  }
0x17d: {  	[sflag:s19] =	ssyncadd.s32 $0xFFFF2000  }
0x17e: {  	v3 =	vld [tilespmem:$0xE8];
	_ =	sdelay $0x4  }
0x17f: {  	v44 =	vshll.u32 v3, $0x3  }
0x180: {  	v3 =	vand.u32 $0x7, v3;
	v4 =	vand.u32 $0xFFFFFFC0, v44  }
0x181: {  	v3 =	vor.u32 v3, v4  }
0x182: {  	v4 =	vperm.xlane v3, v0;
	_ =	sdelay $0x1  }
0x183: {  	v4 =	vadd.s32 v1, v4;
	_ =	sdelay $0x4  }
0x184: {  	[tilespmem:s10], [sflag:$0x1] =	stream.indirect_vreg.gather [hbm4b:s1+s3], $0x80, v4, vm0, $0xb8;
	[tilespmem:$0x1C200] =	vst v63  }
0x185: {  	v3 =	vperm.xlane v3, v2;
	s10 =	simm.s32 $0xEA00  }
0x186: {  	[tilespmem:s10], [sflag:$0x1] =	stream.indirect_vreg.gather [hbm4b:s5+s3], $0x80, v4, vm0, $0xb8;
	[tilespmem:$0x1C200] =	vst v63  }
0x187: {  	s20 =	simm.s32 $0xF200;
	v3 =	vadd.s32 v1, v3  }
0x188: {  	[tilespmem:s20], [sflag:$0x1] =	stream.indirect_vreg.gather [hbm4b:s6+s3], $0x80, v4, vm0, $0xb8;
	[tilespmem:$0x1C200] =	vst v63  }
0x189: {  	_ = 	snop  }
0x18a: {  	[tilespmem:s11], [sflag:$0x1] =	stream.indirect_vreg.gather [hbm4b:s7+s3], $0x80, v4, vm0, $0xb8;
	[tilespmem:$0x1C200] =	vst v63  }
0x18b: {  	_ = 	snop  }
0x18c: {  	[tilespmem:s4], [sflag:$0x1] =	stream.indirect_vreg.gather [hbm4b:s1+s3], $0x80, v3, vm0, $0xb8;
	[tilespmem:$0x1C200] =	vst v63  }
0x18d: {  	_ = 	snop  }
0x18e: {  	[tilespmem:s9], [sflag:$0x1] =	stream.indirect_vreg.gather [hbm4b:s5+s3], $0x80, v3, vm0, $0xb8;
	[tilespmem:$0x1C200] =	vst v63  }
0x18f: {  	_ = 	snop  }
0x190: {  	[tilespmem:s14], [sflag:$0x1] =	stream.indirect_vreg.gather [hbm4b:s6+s3], $0x80, v3, vm0, $0xb8;
	[tilespmem:$0x1C200] =	vst v63  }
0x191: {  	s0 =	simm.s32 $0x11A00  }
0x192: {  	[tilespmem:s0], [sflag:$0x1] =	stream.indirect_vreg.gather [hbm4b:s7+s3], $0x80, v3, vm0, $0xb8;
	[tilespmem:$0x1C200] =	vst v63  }
0x193: {  	v3 =	vld [tilespmem:$0xF8];
	_ =	sdelay $0x4  }
0x194: {  	v45 =	vshll.u32 v3, $0x3  }
0x195: {  	v3 =	vand.u32 $0x7, v3;
	v4 =	vand.u32 $0xFFFFFFC0, v45  }
0x196: {  	v3 =	vor.u32 v3, v4  }
0x197: {  	v4 =	vperm.xlane v3, v0;
	_ =	sdelay $0x1  }
0x198: {  	v4 =	vadd.s32 v1, v4;
	_ =	sdelay $0x3  }
0x199: {  	s11 =	simm.s32 $0x12200  }
0x19a: {  	[tilespmem:s11], [sflag:$0x1] =	stream.indirect_vreg.gather [hbm4b:s1+s3], $0x80, v4, vm0, $0xb8;
	[tilespmem:$0x1C200] =	vst v63  }
0x19b: {  	s14 =	simm.s32 $0x12A00;
	v3 =	vperm.xlane v3, v2  }
0x19c: {  	[tilespmem:s14], [sflag:$0x1] =	stream.indirect_vreg.gather [hbm4b:s5+s3], $0x80, v4, vm0, $0xb8;
	[tilespmem:$0x1C200] =	vst v63  }
0x19d: {  	v3 =	vadd.s32 v1, v3  }
0x19e: {  	[tilespmem:s22], [sflag:$0x1] =	stream.indirect_vreg.gather [hbm4b:s6+s3], $0x80, v4, vm0, $0xb8;
	[tilespmem:$0x1C200] =	vst v63  }
0x19f: {  	_ = 	snop  }
0x1a0: {  	[tilespmem:s23], [sflag:$0x1] =	stream.indirect_vreg.gather [hbm4b:s7+s3], $0x80, v4, vm0, $0xb8;
	[tilespmem:$0x1C200] =	vst v63  }
0x1a1: {  	_ = 	snop  }
0x1a2: {  	[tilespmem:s24], [sflag:$0x1] =	stream.indirect_vreg.gather [hbm4b:s1+s3], $0x80, v3, vm0, $0xb8;
	[tilespmem:$0x1C200] =	vst v63  }
0x1a3: {  	_ = 	snop  }
0x1a4: {  	[tilespmem:s25], [sflag:$0x1] =	stream.indirect_vreg.gather [hbm4b:s5+s3], $0x80, v3, vm0, $0xb8;
	[tilespmem:$0x1C200] =	vst v63  }
0x1a5: {  	_ = 	snop  }
0x1a6: {  	[tilespmem:s26], [sflag:$0x1] =	stream.indirect_vreg.gather [hbm4b:s6+s3], $0x80, v3, vm0, $0xb8;
	[tilespmem:$0x1C200] =	vst v63  }
0x1a7: {  	s9 =	simm.s32 $0x15A00  }
0x1a8: {  	[tilespmem:s9], [sflag:$0x1] =	stream.indirect_vreg.gather [hbm4b:s7+s3], $0x80, v3, vm0, $0xb8;
	[tilespmem:$0x1C200] =	vst v63  }
0x1a9: {  	v3 =	vld [tilespmem:$0x108];
	_ =	sdelay $0x4  }
0x1aa: {  	v46 =	vshll.u32 v3, $0x3  }
0x1ab: {  	v3 =	vand.u32 $0x7, v3;
	v4 =	vand.u32 $0xFFFFFFC0, v46  }
0x1ac: {  	v3 =	vor.u32 v3, v4  }
0x1ad: {  	v4 =	vperm.xlane v3, v0;
	_ =	sdelay $0x1  }
0x1ae: {  	v4 =	vadd.s32 v1, v4;
	_ =	sdelay $0x3  }
0x1af: {  	s22 =	simm.s32 $0x16200  }
0x1b0: {  	[tilespmem:s22], [sflag:$0x1] =	stream.indirect_vreg.gather [hbm4b:s1+s3], $0x80, v4, vm0, $0xb8;
	[tilespmem:$0x1C200] =	vst v63  }
0x1b1: {  	s23 =	simm.s32 $0x16A00;
	v3 =	vperm.xlane v3, v2  }
0x1b2: {  	[tilespmem:s23], [sflag:$0x1] =	stream.indirect_vreg.gather [hbm4b:s5+s3], $0x80, v4, vm0, $0xb8;
	[tilespmem:$0x1C200] =	vst v63  }
0x1b3: {  	v3 =	vadd.s32 v1, v3  }
0x1b4: {  	[tilespmem:s28], [sflag:$0x1] =	stream.indirect_vreg.gather [hbm4b:s6+s3], $0x80, v4, vm0, $0xb8;
	[tilespmem:$0x1C200] =	vst v63  }
0x1b5: {  	_ = 	snop  }
0x1b6: {  	[tilespmem:s29], [sflag:$0x1] =	stream.indirect_vreg.gather [hbm4b:s7+s3], $0x80, v4, vm0, $0xb8;
	[tilespmem:$0x1C200] =	vst v63  }
0x1b7: {  	_ = 	snop  }
0x1b8: {  	[tilespmem:s30], [sflag:$0x1] =	stream.indirect_vreg.gather [hbm4b:s1+s3], $0x80, v3, vm0, $0xb8;
	[tilespmem:$0x1C200] =	vst v63  }
0x1b9: {  	_ = 	snop  }
0x1ba: {  	[tilespmem:s31], [sflag:$0x1] =	stream.indirect_vreg.gather [hbm4b:s5+s3], $0x80, v3, vm0, $0xb8;
	[tilespmem:$0x1C200] =	vst v63  }
0x1bb: {  	_ = 	snop  }
0x1bc: {  	[tilespmem:s15], [sflag:$0x1] =	stream.indirect_vreg.gather [hbm4b:s6+s3], $0x80, v3, vm0, $0xb8;
	[tilespmem:$0x1C200] =	vst v63  }
0x1bd: {  	s10 =	simm.s32 $0x19A00  }
0x1be: {  	[tilespmem:s10], [sflag:$0x1] =	stream.indirect_vreg.gather [hbm4b:s7+s3], $0x80, v3, vm0, $0xb8;
	[tilespmem:$0x1C200] =	vst v63  }
0x1bf: {  	v3 =	vld.msk [tilespmem:$0x118], $0xff;
	_ =	sdelay $0x4  }
0x1c0: {  	v47 =	vshll.u32 v3, $0x3  }
0x1c1: {  	v3 =	vand.u32 $0x7, v3;
	v4 =	vand.u32 $0xFFFFFFC0, v47  }
0x1c2: {  	v3 =	vor.u32 v3, v4  }
0x1c3: {  	v3 =	vperm.xlane v3, v0;
	_ =	sdelay $0x1  }
0x1c4: {  	v3 =	vadd.s32 v1, v3;
	_ =	sdelay $0x3  }
0x1c5: {  	s28 =	simm.s32 $0x1A200  }
0x1c6: {  	[tilespmem:s28], [sflag:$0x1] =	stream.indirect_vreg.gather [hbm4b:s1+s3], $0x80, v3, vm0, $0xb8;
	[tilespmem:$0x1C200] =	vst v63  }
0x1c7: {  	s29 =	simm.s32 $0x1AA00  }
0x1c8: {  	[tilespmem:s29], [sflag:$0x1] =	stream.indirect_vreg.gather [hbm4b:s5+s3], $0x80, v3, vm0, $0xb8;
	[tilespmem:$0x1C200] =	vst v63  }
0x1c9: {  	s30 =	simm.s32 $0x1B200  }
0x1ca: {  	[tilespmem:s30], [sflag:$0x1] =	stream.indirect_vreg.gather [hbm4b:s6+s3], $0x80, v3, vm0, $0xb8;
	[tilespmem:$0x1C200] =	vst v63  }
0x1cb: {  	s31 =	simm.s32 $0x1BA00  }
0x1cc: {  	[tilespmem:s31], [sflag:$0x1] =	stream.indirect_vreg.gather [hbm4b:s7+s3], $0x80, v3, vm0, $0xb8;
	[tilespmem:$0x1C200] =	vst v63  }
0x1cd: {  	_ =	swait.ge [sflag:s18], $0xE000  }
0x1ce: {  	[sflag:s18] =	ssyncset.done $0x0  }
0x1cf: {  	s4 =	rddreg [dreg:$0x8];
	[sflag:s18] =	ssyncadd.s32 $0xFFFF2000  }
0x1d0: {  	[hbm4b:s4+s3] =	stream.linear.scatter [tilespmem:s2], [sflag:$0x2], $0xE000, $0x38;
	[tilespmem:$0x1C200] =	vst v63  }
0x1d1: {  	_ =	swait.ge [sflag:s19], $0xE000  }
0x1d2: {  	[sflag:s19] =	ssyncset.done $0x0  }
0x1d3: {  	[sflag:s19] =	ssyncadd.s32 $0xFFFF2000  }
0x1d4: {  	v3 =	vld [tilespmem:$0x120];
	_ =	sdelay $0x4  }
0x1d5: {  	v48 =	vshll.u32 v3, $0x3  }
0x1d6: {  	v3 =	vand.u32 $0x7, v3;
	v4 =	vand.u32 $0xFFFFFFC0, v48  }
0x1d7: {  	v3 =	vor.u32 v3, v4  }
0x1d8: {  	v4 =	vperm.xlane v3, v0;
	_ =	sdelay $0x1  }
0x1d9: {  	v4 =	vadd.s32 v1, v4;
	_ =	sdelay $0x4  }
0x1da: {  	[tilespmem:s2], [sflag:$0x1] =	stream.indirect_vreg.gather [hbm4b:s1+s3], $0x80, v4, vm0, $0xb8;
	[tilespmem:$0x1C200] =	vst v63  }
0x1db: {  	s15 =	simm.s32 $0xA00;
	v3 =	vperm.xlane v3, v2  }
0x1dc: {  	[tilespmem:s15], [sflag:$0x1] =	stream.indirect_vreg.gather [hbm4b:s5+s3], $0x80, v4, vm0, $0xb8;
	[tilespmem:$0x1C200] =	vst v63  }
0x1dd: {  	s25 =	simm.s32 $0x1200;
	v3 =	vadd.s32 v1, v3  }
0x1de: {  	[tilespmem:s25], [sflag:$0x1] =	stream.indirect_vreg.gather [hbm4b:s6+s3], $0x80, v4, vm0, $0xb8;
	[tilespmem:$0x1C200] =	vst v63  }
0x1df: {  	s24 =	simm.s32 $0x1A00  }
0x1e0: {  	[tilespmem:s24], [sflag:$0x1] =	stream.indirect_vreg.gather [hbm4b:s7+s3], $0x80, v4, vm0, $0xb8;
	[tilespmem:$0x1C200] =	vst v63  }
0x1e1: {  	_ = 	snop  }
0x1e2: {  	[tilespmem:s12], [sflag:$0x1] =	stream.indirect_vreg.gather [hbm4b:s1+s3], $0x80, v3, vm0, $0xb8;
	[tilespmem:$0x1C200] =	vst v63  }
0x1e3: {  	_ = 	snop  }
0x1e4: {  	[tilespmem:s13], [sflag:$0x1] =	stream.indirect_vreg.gather [hbm4b:s5+s3], $0x80, v3, vm0, $0xb8;
	[tilespmem:$0x1C200] =	vst v63  }
0x1e5: {  	_ = 	snop  }
0x1e6: {  	[tilespmem:s16], [sflag:$0x1] =	stream.indirect_vreg.gather [hbm4b:s6+s3], $0x80, v3, vm0, $0xb8;
	[tilespmem:$0x1C200] =	vst v63  }
0x1e7: {  	s13 =	simm.s32 $0x3A00  }
0x1e8: {  	[tilespmem:s13], [sflag:$0x1] =	stream.indirect_vreg.gather [hbm4b:s7+s3], $0x80, v3, vm0, $0xb8;
	[tilespmem:$0x1C200] =	vst v63  }
0x1e9: {  	v3 =	vld [tilespmem:$0x130];
	_ =	sdelay $0x4  }
0x1ea: {  	v49 =	vshll.u32 v3, $0x3  }
0x1eb: {  	v3 =	vand.u32 $0x7, v3;
	v4 =	vand.u32 $0xFFFFFFC0, v49  }
0x1ec: {  	v3 =	vor.u32 v3, v4  }
0x1ed: {  	v4 =	vperm.xlane v3, v0;
	_ =	sdelay $0x1  }
0x1ee: {  	v4 =	vadd.s32 v1, v4;
	_ =	sdelay $0x3  }
0x1ef: {  	s16 =	simm.s32 $0x4200  }
0x1f0: {  	[tilespmem:s16], [sflag:$0x1] =	stream.indirect_vreg.gather [hbm4b:s1+s3], $0x80, v4, vm0, $0xb8;
	[tilespmem:$0x1C200] =	vst v63  }
0x1f1: {  	s20 =	simm.s32 $0x4A00;
	v3 =	vperm.xlane v3, v2  }
0x1f2: {  	[tilespmem:s20], [sflag:$0x1] =	stream.indirect_vreg.gather [hbm4b:s5+s3], $0x80, v4, vm0, $0xb8;
	[tilespmem:$0x1C200] =	vst v63  }
0x1f3: {  	v3 =	vadd.s32 v1, v3  }
0x1f4: {  	[tilespmem:s21], [sflag:$0x1] =	stream.indirect_vreg.gather [hbm4b:s6+s3], $0x80, v4, vm0, $0xb8;
	[tilespmem:$0x1C200] =	vst v63  }
0x1f5: {  	_ = 	snop  }
0x1f6: {  	[tilespmem:s17], [sflag:$0x1] =	stream.indirect_vreg.gather [hbm4b:s7+s3], $0x80, v4, vm0, $0xb8;
	[tilespmem:$0x1C200] =	vst v63  }
0x1f7: {  	s28 =	simm.s32 $0x6200  }
0x1f8: {  	[tilespmem:s28], [sflag:$0x1] =	stream.indirect_vreg.gather [hbm4b:s1+s3], $0x80, v3, vm0, $0xb8;
	[tilespmem:$0x1C200] =	vst v63  }
0x1f9: {  	s21 =	simm.s32 $0x6A00  }
0x1fa: {  	[tilespmem:s21], [sflag:$0x1] =	stream.indirect_vreg.gather [hbm4b:s5+s3], $0x80, v3, vm0, $0xb8;
	[tilespmem:$0x1C200] =	vst v63  }
0x1fb: {  	s12 =	simm.s32 $0x7200  }
0x1fc: {  	[tilespmem:s12], [sflag:$0x1] =	stream.indirect_vreg.gather [hbm4b:s6+s3], $0x80, v3, vm0, $0xb8;
	[tilespmem:$0x1C200] =	vst v63  }
0x1fd: {  	s31 =	simm.s32 $0x7A00  }
0x1fe: {  	[tilespmem:s31], [sflag:$0x1] =	stream.indirect_vreg.gather [hbm4b:s7+s3], $0x80, v3, vm0, $0xb8;
	[tilespmem:$0x1C200] =	vst v63  }
0x1ff: {  	v3 =	vld [tilespmem:$0x140];
	_ =	sdelay $0x4  }
0x200: {  	v50 =	vshll.u32 v3, $0x3  }
0x201: {  	v3 =	vand.u32 $0x7, v3;
	v4 =	vand.u32 $0xFFFFFFC0, v50  }
0x202: {  	v3 =	vor.u32 v3, v4  }
0x203: {  	v4 =	vperm.xlane v3, v0;
	_ =	sdelay $0x1  }
0x204: {  	v4 =	vadd.s32 v1, v4;
	_ =	sdelay $0x3  }
0x205: {  	s13 =	simm.s32 $0x8200  }
0x206: {  	[tilespmem:s13], [sflag:$0x1] =	stream.indirect_vreg.gather [hbm4b:s1+s3], $0x80, v4, vm0, $0xb8;
	[tilespmem:$0x1C200] =	vst v63  }
0x207: {  	s20 =	simm.s32 $0x8A00;
	v3 =	vperm.xlane v3, v2  }
0x208: {  	[tilespmem:s20], [sflag:$0x1] =	stream.indirect_vreg.gather [hbm4b:s5+s3], $0x80, v4, vm0, $0xb8;
	[tilespmem:$0x1C200] =	vst v63  }
0x209: {  	s31 =	simm.s32 $0x9200;
	v3 =	vadd.s32 v1, v3  }
0x20a: {  	[tilespmem:s31], [sflag:$0x1] =	stream.indirect_vreg.gather [hbm4b:s6+s3], $0x80, v4, vm0, $0xb8;
	[tilespmem:$0x1C200] =	vst v63  }
0x20b: {  	s13 =	simm.s32 $0x9A00  }
0x20c: {  	[tilespmem:s13], [sflag:$0x1] =	stream.indirect_vreg.gather [hbm4b:s7+s3], $0x80, v4, vm0, $0xb8;
	[tilespmem:$0x1C200] =	vst v63  }
0x20d: {  	s20 =	simm.s32 $0xA200  }
0x20e: {  	[tilespmem:s20], [sflag:$0x1] =	stream.indirect_vreg.gather [hbm4b:s1+s3], $0x80, v3, vm0, $0xb8;
	[tilespmem:$0x1C200] =	vst v63  }
0x20f: {  	s31 =	simm.s32 $0xAA00  }
0x210: {  	[tilespmem:s31], [sflag:$0x1] =	stream.indirect_vreg.gather [hbm4b:s5+s3], $0x80, v3, vm0, $0xb8;
	[tilespmem:$0x1C200] =	vst v63  }
0x211: {  	s13 =	simm.s32 $0xB200  }
0x212: {  	[tilespmem:s13], [sflag:$0x1] =	stream.indirect_vreg.gather [hbm4b:s6+s3], $0x80, v3, vm0, $0xb8;
	[tilespmem:$0x1C200] =	vst v63  }
0x213: {  	s20 =	simm.s32 $0xBA00  }
0x214: {  	[tilespmem:s20], [sflag:$0x1] =	stream.indirect_vreg.gather [hbm4b:s7+s3], $0x80, v3, vm0, $0xb8;
	[tilespmem:$0x1C200] =	vst v63  }
0x215: {  	v3 =	vld.msk [tilespmem:$0x150], $0xff;
	_ =	sdelay $0x4  }
0x216: {  	v51 =	vshll.u32 v3, $0x3  }
0x217: {  	v3 =	vand.u32 $0x7, v3;
	v4 =	vand.u32 $0xFFFFFFC0, v51  }
0x218: {  	v3 =	vor.u32 v3, v4  }
0x219: {  	v3 =	vperm.xlane v3, v0;
	_ =	sdelay $0x1  }
0x21a: {  	v3 =	vadd.s32 v1, v3;
	_ =	sdelay $0x3  }
0x21b: {  	s31 =	simm.s32 $0xC200  }
0x21c: {  	[tilespmem:s31], [sflag:$0x1] =	stream.indirect_vreg.gather [hbm4b:s1+s3], $0x80, v3, vm0, $0xb8;
	[tilespmem:$0x1C200] =	vst v63  }
0x21d: {  	s13 =	simm.s32 $0xCA00  }
0x21e: {  	[tilespmem:s13], [sflag:$0x1] =	stream.indirect_vreg.gather [hbm4b:s5+s3], $0x80, v3, vm0, $0xb8;
	[tilespmem:$0x1C200] =	vst v63  }
0x21f: {  	s20 =	simm.s32 $0xD200  }
0x220: {  	[tilespmem:s20], [sflag:$0x1] =	stream.indirect_vreg.gather [hbm4b:s6+s3], $0x80, v3, vm0, $0xb8;
	[tilespmem:$0x1C200] =	vst v63  }
0x221: {  	s31 =	simm.s32 $0xDA00  }
0x222: {  	[tilespmem:s31], [sflag:$0x1] =	stream.indirect_vreg.gather [hbm4b:s7+s3], $0x80, v3, vm0, $0xb8;
	[tilespmem:$0x1C200] =	vst v63  }
0x223: {  	_ =	swait.ge [sflag:s18], $0xE000  }
0x224: {  	[sflag:s18] =	ssyncset.done $0x0  }
0x225: {  	s13 =	simm.s32 $0xE200;
	s4 =	rddreg [dreg:$0x9];
	[sflag:s18] =	ssyncadd.s32 $0xFFFF2000  }
0x226: {  	[hbm4b:s4+s3] =	stream.linear.scatter [tilespmem:s13], [sflag:$0x2], $0xE000, $0x38;
	[tilespmem:$0x1C200] =	vst v63  }
0x227: {  	_ =	swait.ge [sflag:s19], $0xE000  }
0x228: {  	[sflag:s19] =	ssyncset.done $0x0  }
0x229: {  	[sflag:s19] =	ssyncadd.s32 $0xFFFF2000  }
0x22a: {  	v3 =	vld [tilespmem:$0x158];
	_ =	sdelay $0x4  }
0x22b: {  	v52 =	vshll.u32 v3, $0x3  }
0x22c: {  	v3 =	vand.u32 $0x7, v3;
	v4 =	vand.u32 $0xFFFFFFC0, v52  }
0x22d: {  	v3 =	vor.u32 v3, v4  }
0x22e: {  	v4 =	vperm.xlane v3, v0;
	_ =	sdelay $0x1  }
0x22f: {  	v4 =	vadd.s32 v1, v4;
	_ =	sdelay $0x4  }
0x230: {  	[tilespmem:s13], [sflag:$0x1] =	stream.indirect_vreg.gather [hbm4b:s1+s3], $0x80, v4, vm0, $0xb8;
	[tilespmem:$0x1C200] =	vst v63  }
0x231: {  	s20 =	simm.s32 $0xEA00;
	v3 =	vperm.xlane v3, v2  }
0x232: {  	[tilespmem:s20], [sflag:$0x1] =	stream.indirect_vreg.gather [hbm4b:s5+s3], $0x80, v4, vm0, $0xb8;
	[tilespmem:$0x1C200] =	vst v63  }
0x233: {  	s4 =	simm.s32 $0xF200;
	v3 =	vadd.s32 v1, v3  }
0x234: {  	[tilespmem:s4], [sflag:$0x1] =	stream.indirect_vreg.gather [hbm4b:s6+s3], $0x80, v4, vm0, $0xb8;
	[tilespmem:$0x1C200] =	vst v63  }
0x235: {  	s20 =	simm.s32 $0xFA00  }
0x236: {  	[tilespmem:s20], [sflag:$0x1] =	stream.indirect_vreg.gather [hbm4b:s7+s3], $0x80, v4, vm0, $0xb8;
	[tilespmem:$0x1C200] =	vst v63  }
0x237: {  	s20 =	simm.s32 $0x10200  }
0x238: {  	[tilespmem:s20], [sflag:$0x1] =	stream.indirect_vreg.gather [hbm4b:s1+s3], $0x80, v3, vm0, $0xb8;
	[tilespmem:$0x1C200] =	vst v63  }
0x239: {  	s20 =	simm.s32 $0x10A00  }
0x23a: {  	[tilespmem:s20], [sflag:$0x1] =	stream.indirect_vreg.gather [hbm4b:s5+s3], $0x80, v3, vm0, $0xb8;
	[tilespmem:$0x1C200] =	vst v63  }
0x23b: {  	s20 =	simm.s32 $0x11200  }
0x23c: {  	[tilespmem:s20], [sflag:$0x1] =	stream.indirect_vreg.gather [hbm4b:s6+s3], $0x80, v3, vm0, $0xb8;
	[tilespmem:$0x1C200] =	vst v63  }
0x23d: {  	_ = 	snop  }
0x23e: {  	[tilespmem:s0], [sflag:$0x1] =	stream.indirect_vreg.gather [hbm4b:s7+s3], $0x80, v3, vm0, $0xb8;
	[tilespmem:$0x1C200] =	vst v63  }
0x23f: {  	v3 =	vld [tilespmem:$0x168];
	_ =	sdelay $0x4  }
0x240: {  	v53 =	vshll.u32 v3, $0x3  }
0x241: {  	v3 =	vand.u32 $0x7, v3;
	v4 =	vand.u32 $0xFFFFFFC0, v53  }
0x242: {  	v3 =	vor.u32 v3, v4  }
0x243: {  	v4 =	vperm.xlane v3, v0;
	_ =	sdelay $0x1  }
0x244: {  	v4 =	vadd.s32 v1, v4;
	_ =	sdelay $0x4  }
0x245: {  	[tilespmem:s11], [sflag:$0x1] =	stream.indirect_vreg.gather [hbm4b:s1+s3], $0x80, v4, vm0, $0xb8;
	[tilespmem:$0x1C200] =	vst v63  }
0x246: {  	v3 =	vperm.xlane v3, v2  }
0x247: {  	[tilespmem:s14], [sflag:$0x1] =	stream.indirect_vreg.gather [hbm4b:s5+s3], $0x80, v4, vm0, $0xb8;
	[tilespmem:$0x1C200] =	vst v63  }
0x248: {  	s20 =	simm.s32 $0x13200;
	v3 =	vadd.s32 v1, v3  }
0x249: {  	[tilespmem:s20], [sflag:$0x1] =	stream.indirect_vreg.gather [hbm4b:s6+s3], $0x80, v4, vm0, $0xb8;
	[tilespmem:$0x1C200] =	vst v63  }
0x24a: {  	s20 =	simm.s32 $0x13A00  }
0x24b: {  	[tilespmem:s20], [sflag:$0x1] =	stream.indirect_vreg.gather [hbm4b:s7+s3], $0x80, v4, vm0, $0xb8;
	[tilespmem:$0x1C200] =	vst v63  }
0x24c: {  	s20 =	simm.s32 $0x14200  }
0x24d: {  	[tilespmem:s20], [sflag:$0x1] =	stream.indirect_vreg.gather [hbm4b:s1+s3], $0x80, v3, vm0, $0xb8;
	[tilespmem:$0x1C200] =	vst v63  }
0x24e: {  	s20 =	simm.s32 $0x14A00  }
0x24f: {  	[tilespmem:s20], [sflag:$0x1] =	stream.indirect_vreg.gather [hbm4b:s5+s3], $0x80, v3, vm0, $0xb8;
	[tilespmem:$0x1C200] =	vst v63  }
0x250: {  	s20 =	simm.s32 $0x15200  }
0x251: {  	[tilespmem:s20], [sflag:$0x1] =	stream.indirect_vreg.gather [hbm4b:s6+s3], $0x80, v3, vm0, $0xb8;
	[tilespmem:$0x1C200] =	vst v63  }
0x252: {  	_ = 	snop  }
0x253: {  	[tilespmem:s9], [sflag:$0x1] =	stream.indirect_vreg.gather [hbm4b:s7+s3], $0x80, v3, vm0, $0xb8;
	[tilespmem:$0x1C200] =	vst v63  }
0x254: {  	v3 =	vld [tilespmem:$0x178];
	_ =	sdelay $0x4  }
0x255: {  	v54 =	vshll.u32 v3, $0x3  }
0x256: {  	v3 =	vand.u32 $0x7, v3;
	v4 =	vand.u32 $0xFFFFFFC0, v54  }
0x257: {  	v3 =	vor.u32 v3, v4  }
0x258: {  	v4 =	vperm.xlane v3, v0;
	_ =	sdelay $0x1  }
0x259: {  	v4 =	vadd.s32 v1, v4;
	_ =	sdelay $0x4  }
0x25a: {  	[tilespmem:s22], [sflag:$0x1] =	stream.indirect_vreg.gather [hbm4b:s1+s3], $0x80, v4, vm0, $0xb8;
	[tilespmem:$0x1C200] =	vst v63  }
0x25b: {  	v3 =	vperm.xlane v3, v2  }
0x25c: {  	[tilespmem:s23], [sflag:$0x1] =	stream.indirect_vreg.gather [hbm4b:s5+s3], $0x80, v4, vm0, $0xb8;
	[tilespmem:$0x1C200] =	vst v63  }
0x25d: {  	s20 =	simm.s32 $0x17200;
	v3 =	vadd.s32 v1, v3  }
0x25e: {  	[tilespmem:s20], [sflag:$0x1] =	stream.indirect_vreg.gather [hbm4b:s6+s3], $0x80, v4, vm0, $0xb8;
	[tilespmem:$0x1C200] =	vst v63  }
0x25f: {  	s20 =	simm.s32 $0x17A00  }
0x260: {  	[tilespmem:s20], [sflag:$0x1] =	stream.indirect_vreg.gather [hbm4b:s7+s3], $0x80, v4, vm0, $0xb8;
	[tilespmem:$0x1C200] =	vst v63  }
0x261: {  	s20 =	simm.s32 $0x18200  }
0x262: {  	[tilespmem:s20], [sflag:$0x1] =	stream.indirect_vreg.gather [hbm4b:s1+s3], $0x80, v3, vm0, $0xb8;
	[tilespmem:$0x1C200] =	vst v63  }
0x263: {  	s20 =	simm.s32 $0x18A00  }
0x264: {  	[tilespmem:s20], [sflag:$0x1] =	stream.indirect_vreg.gather [hbm4b:s5+s3], $0x80, v3, vm0, $0xb8;
	[tilespmem:$0x1C200] =	vst v63  }
0x265: {  	s20 =	simm.s32 $0x19200  }
0x266: {  	[tilespmem:s20], [sflag:$0x1] =	stream.indirect_vreg.gather [hbm4b:s6+s3], $0x80, v3, vm0, $0xb8;
	[tilespmem:$0x1C200] =	vst v63  }
0x267: {  	_ = 	snop  }
0x268: {  	[tilespmem:s10], [sflag:$0x1] =	stream.indirect_vreg.gather [hbm4b:s7+s3], $0x80, v3, vm0, $0xb8;
	[tilespmem:$0x1C200] =	vst v63  }
0x269: {  	v3 =	vld.msk [tilespmem:$0x188], $0xff;
	_ =	sdelay $0x4  }
0x26a: {  	v55 =	vshll.u32 v3, $0x3  }
0x26b: {  	v3 =	vand.u32 $0x7, v3;
	v4 =	vand.u32 $0xFFFFFFC0, v55  }
0x26c: {  	v3 =	vor.u32 v3, v4  }
0x26d: {  	v3 =	vperm.xlane v3, v0;
	_ =	sdelay $0x1  }
0x26e: {  	v3 =	vadd.s32 v1, v3;
	_ =	sdelay $0x3  }
0x26f: {  	s20 =	simm.s32 $0x1A200  }
0x270: {  	[tilespmem:s20], [sflag:$0x1] =	stream.indirect_vreg.gather [hbm4b:s1+s3], $0x80, v3, vm0, $0xb8;
	[tilespmem:$0x1C200] =	vst v63  }
0x271: {  	s20 =	simm.s32 $0x1AA00  }
0x272: {  	[tilespmem:s20], [sflag:$0x1] =	stream.indirect_vreg.gather [hbm4b:s5+s3], $0x80, v3, vm0, $0xb8;
	[tilespmem:$0x1C200] =	vst v63  }
0x273: {  	s20 =	simm.s32 $0x1B200  }
0x274: {  	[tilespmem:s20], [sflag:$0x1] =	stream.indirect_vreg.gather [hbm4b:s6+s3], $0x80, v3, vm0, $0xb8;
	[tilespmem:$0x1C200] =	vst v63  }
0x275: {  	s20 =	simm.s32 $0x1BA00  }
0x276: {  	[tilespmem:s20], [sflag:$0x1] =	stream.indirect_vreg.gather [hbm4b:s7+s3], $0x80, v3, vm0, $0xb8;
	[tilespmem:$0x1C200] =	vst v63  }
0x277: {  	_ =	swait.ge [sflag:s18], $0xE000  }
0x278: {  	[sflag:s18] =	ssyncset.done $0x0  }
0x279: {  	s20 =	rddreg [dreg:$0xa];
	[sflag:s18] =	ssyncadd.s32 $0xFFFF2000  }
0x27a: {  	[hbm4b:s20+s3] =	stream.linear.scatter [tilespmem:s2], [sflag:$0x2], $0xE000, $0x38;
	[tilespmem:$0x1C200] =	vst v63  }
0x27b: {  	_ =	swait.ge [sflag:s19], $0xE000  }
0x27c: {  	[sflag:s19] =	ssyncset.done $0x0  }
0x27d: {  	[sflag:s19] =	ssyncadd.s32 $0xFFFF2000  }
0x27e: {  	v3 =	vld [tilespmem:$0x190];
	_ =	sdelay $0x4  }
0x27f: {  	v56 =	vshll.u32 v3, $0x3  }
0x280: {  	v3 =	vand.u32 $0x7, v3;
	v4 =	vand.u32 $0xFFFFFFC0, v56  }
0x281: {  	v3 =	vor.u32 v3, v4  }
0x282: {  	v4 =	vperm.xlane v3, v0;
	_ =	sdelay $0x1  }
0x283: {  	v4 =	vadd.s32 v1, v4;
	_ =	sdelay $0x4  }
0x284: {  	[tilespmem:s2], [sflag:$0x1] =	stream.indirect_vreg.gather [hbm4b:s1+s3], $0x80, v4, vm0, $0xb8;
	[tilespmem:$0x1C200] =	vst v63  }
0x285: {  	v3 =	vperm.xlane v3, v2  }
0x286: {  	[tilespmem:s15], [sflag:$0x1] =	stream.indirect_vreg.gather [hbm4b:s5+s3], $0x80, v4, vm0, $0xb8;
	[tilespmem:$0x1C200] =	vst v63  }
0x287: {  	v3 =	vadd.s32 v1, v3  }
0x288: {  	[tilespmem:s25], [sflag:$0x1] =	stream.indirect_vreg.gather [hbm4b:s6+s3], $0x80, v4, vm0, $0xb8;
	[tilespmem:$0x1C200] =	vst v63  }
0x289: {  	_ = 	snop  }
0x28a: {  	[tilespmem:s24], [sflag:$0x1] =	stream.indirect_vreg.gather [hbm4b:s7+s3], $0x80, v4, vm0, $0xb8;
	[tilespmem:$0x1C200] =	vst v63  }
0x28b: {  	s29 =	simm.s32 $0x2200  }
0x28c: {  	[tilespmem:s29], [sflag:$0x1] =	stream.indirect_vreg.gather [hbm4b:s1+s3], $0x80, v3, vm0, $0xb8;
	[tilespmem:$0x1C200] =	vst v63  }
0x28d: {  	s30 =	simm.s32 $0x2A00  }
0x28e: {  	[tilespmem:s30], [sflag:$0x1] =	stream.indirect_vreg.gather [hbm4b:s5+s3], $0x80, v3, vm0, $0xb8;
	[tilespmem:$0x1C200] =	vst v63  }
0x28f: {  	s26 =	simm.s32 $0x3200  }
0x290: {  	[tilespmem:s26], [sflag:$0x1] =	stream.indirect_vreg.gather [hbm4b:s6+s3], $0x80, v3, vm0, $0xb8;
	[tilespmem:$0x1C200] =	vst v63  }
0x291: {  	s30 =	simm.s32 $0x3A00  }
0x292: {  	[tilespmem:s30], [sflag:$0x1] =	stream.indirect_vreg.gather [hbm4b:s7+s3], $0x80, v3, vm0, $0xb8;
	[tilespmem:$0x1C200] =	vst v63  }
0x293: {  	v3 =	vld [tilespmem:$0x1A0];
	_ =	sdelay $0x4  }
0x294: {  	v57 =	vshll.u32 v3, $0x3  }
0x295: {  	v3 =	vand.u32 $0x7, v3;
	v4 =	vand.u32 $0xFFFFFFC0, v57  }
0x296: {  	v3 =	vor.u32 v3, v4  }
0x297: {  	v4 =	vperm.xlane v3, v0;
	_ =	sdelay $0x1  }
0x298: {  	v4 =	vadd.s32 v1, v4;
	_ =	sdelay $0x3  }
0x299: {  	s26 =	simm.s32 $0x4200  }
0x29a: {  	[tilespmem:s26], [sflag:$0x1] =	stream.indirect_vreg.gather [hbm4b:s1+s3], $0x80, v4, vm0, $0xb8;
	[tilespmem:$0x1C200] =	vst v63  }
0x29b: {  	s29 =	simm.s32 $0x4A00;
	v3 =	vperm.xlane v3, v2  }
0x29c: {  	[tilespmem:s29], [sflag:$0x1] =	stream.indirect_vreg.gather [hbm4b:s5+s3], $0x80, v4, vm0, $0xb8;
	[tilespmem:$0x1C200] =	vst v63  }
0x29d: {  	s16 =	simm.s32 $0x5200;
	v3 =	vadd.s32 v1, v3  }
0x29e: {  	[tilespmem:s16], [sflag:$0x1] =	stream.indirect_vreg.gather [hbm4b:s6+s3], $0x80, v4, vm0, $0xb8;
	[tilespmem:$0x1C200] =	vst v63  }
0x29f: {  	s17 =	simm.s32 $0x5A00  }
0x2a0: {  	[tilespmem:s17], [sflag:$0x1] =	stream.indirect_vreg.gather [hbm4b:s7+s3], $0x80, v4, vm0, $0xb8;
	[tilespmem:$0x1C200] =	vst v63  }
0x2a1: {  	s28 =	simm.s32 $0x6200  }
0x2a2: {  	[tilespmem:s28], [sflag:$0x1] =	stream.indirect_vreg.gather [hbm4b:s1+s3], $0x80, v3, vm0, $0xb8;
	[tilespmem:$0x1C200] =	vst v63  }
0x2a3: {  	_ = 	snop  }
0x2a4: {  	[tilespmem:s21], [sflag:$0x1] =	stream.indirect_vreg.gather [hbm4b:s5+s3], $0x80, v3, vm0, $0xb8;
	[tilespmem:$0x1C200] =	vst v63  }
0x2a5: {  	_ = 	snop  }
0x2a6: {  	[tilespmem:s12], [sflag:$0x1] =	stream.indirect_vreg.gather [hbm4b:s6+s3], $0x80, v3, vm0, $0xb8;
	[tilespmem:$0x1C200] =	vst v63  }
0x2a7: {  	s30 =	simm.s32 $0x7A00  }
0x2a8: {  	[tilespmem:s30], [sflag:$0x1] =	stream.indirect_vreg.gather [hbm4b:s7+s3], $0x80, v3, vm0, $0xb8;
	[tilespmem:$0x1C200] =	vst v63  }
0x2a9: {  	v3 =	vld [tilespmem:$0x1B0];
	_ =	sdelay $0x4  }
0x2aa: {  	v58 =	vshll.u32 v3, $0x3  }
0x2ab: {  	v3 =	vand.u32 $0x7, v3;
	v4 =	vand.u32 $0xFFFFFFC0, v58  }
0x2ac: {  	v3 =	vor.u32 v3, v4  }
0x2ad: {  	v4 =	vperm.xlane v3, v0;
	_ =	sdelay $0x1  }
0x2ae: {  	v4 =	vadd.s32 v1, v4;
	_ =	sdelay $0x3  }
0x2af: {  	s16 =	simm.s32 $0x8200  }
0x2b0: {  	[tilespmem:s16], [sflag:$0x1] =	stream.indirect_vreg.gather [hbm4b:s1+s3], $0x80, v4, vm0, $0xb8;
	[tilespmem:$0x1C200] =	vst v63  }
0x2b1: {  	s17 =	simm.s32 $0x8A00;
	v3 =	vperm.xlane v3, v2  }
0x2b2: {  	[tilespmem:s17], [sflag:$0x1] =	stream.indirect_vreg.gather [hbm4b:s5+s3], $0x80, v4, vm0, $0xb8;
	[tilespmem:$0x1C200] =	vst v63  }
0x2b3: {  	s20 =	simm.s32 $0x9200;
	v3 =	vadd.s32 v1, v3  }
0x2b4: {  	[tilespmem:s20], [sflag:$0x1] =	stream.indirect_vreg.gather [hbm4b:s6+s3], $0x80, v4, vm0, $0xb8;
	[tilespmem:$0x1C200] =	vst v63  }
0x2b5: {  	s21 =	simm.s32 $0x9A00  }
0x2b6: {  	[tilespmem:s21], [sflag:$0x1] =	stream.indirect_vreg.gather [hbm4b:s7+s3], $0x80, v4, vm0, $0xb8;
	[tilespmem:$0x1C200] =	vst v63  }
0x2b7: {  	s26 =	simm.s32 $0xA200  }
0x2b8: {  	[tilespmem:s26], [sflag:$0x1] =	stream.indirect_vreg.gather [hbm4b:s1+s3], $0x80, v3, vm0, $0xb8;
	[tilespmem:$0x1C200] =	vst v63  }
0x2b9: {  	s28 =	simm.s32 $0xAA00  }
0x2ba: {  	[tilespmem:s28], [sflag:$0x1] =	stream.indirect_vreg.gather [hbm4b:s5+s3], $0x80, v3, vm0, $0xb8;
	[tilespmem:$0x1C200] =	vst v63  }
0x2bb: {  	s29 =	simm.s32 $0xB200  }
0x2bc: {  	[tilespmem:s29], [sflag:$0x1] =	stream.indirect_vreg.gather [hbm4b:s6+s3], $0x80, v3, vm0, $0xb8;
	[tilespmem:$0x1C200] =	vst v63  }
0x2bd: {  	s30 =	simm.s32 $0xBA00  }
0x2be: {  	[tilespmem:s30], [sflag:$0x1] =	stream.indirect_vreg.gather [hbm4b:s7+s3], $0x80, v3, vm0, $0xb8;
	[tilespmem:$0x1C200] =	vst v63  }
0x2bf: {  	v3 =	vld.msk [tilespmem:$0x1C0], $0xff;
	_ =	sdelay $0x4  }
0x2c0: {  	v59 =	vshll.u32 v3, $0x3  }
0x2c1: {  	v3 =	vand.u32 $0x7, v3;
	v4 =	vand.u32 $0xFFFFFFC0, v59  }
0x2c2: {  	v3 =	vor.u32 v3, v4  }
0x2c3: {  	v3 =	vperm.xlane v3, v0;
	_ =	sdelay $0x1  }
0x2c4: {  	v3 =	vadd.s32 v1, v3;
	_ =	sdelay $0x3  }
0x2c5: {  	s16 =	simm.s32 $0xC200  }
0x2c6: {  	[tilespmem:s16], [sflag:$0x1] =	stream.indirect_vreg.gather [hbm4b:s1+s3], $0x80, v3, vm0, $0xb8;
	[tilespmem:$0x1C200] =	vst v63  }
0x2c7: {  	s17 =	simm.s32 $0xCA00  }
0x2c8: {  	[tilespmem:s17], [sflag:$0x1] =	stream.indirect_vreg.gather [hbm4b:s5+s3], $0x80, v3, vm0, $0xb8;
	[tilespmem:$0x1C200] =	vst v63  }
0x2c9: {  	s20 =	simm.s32 $0xD200  }
0x2ca: {  	[tilespmem:s20], [sflag:$0x1] =	stream.indirect_vreg.gather [hbm4b:s6+s3], $0x80, v3, vm0, $0xb8;
	[tilespmem:$0x1C200] =	vst v63  }
0x2cb: {  	s21 =	simm.s32 $0xDA00  }
0x2cc: {  	[tilespmem:s21], [sflag:$0x1] =	stream.indirect_vreg.gather [hbm4b:s7+s3], $0x80, v3, vm0, $0xb8;
	[tilespmem:$0x1C200] =	vst v63  }
0x2cd: {  	_ =	swait.ge [sflag:s18], $0xE000  }
0x2ce: {  	[sflag:s18] =	ssyncset.done $0x0  }
0x2cf: {  	s13 =	simm.s32 $0xE200;
	s26 =	rddreg [dreg:$0xb];
	[sflag:s18] =	ssyncadd.s32 $0xFFFF2000  }
0x2d0: {  	[hbm4b:s26+s3] =	stream.linear.scatter [tilespmem:s13], [sflag:$0x2], $0xE000, $0x38;
	[tilespmem:$0x1C200] =	vst v63  }
0x2d1: {  	_ =	swait.ge [sflag:s19], $0xE000  }
0x2d2: {  	[sflag:s19] =	ssyncset.done $0x0  }
0x2d3: {  	[sflag:s19] =	ssyncadd.s32 $0xFFFF2000  }
0x2d4: {  	v3 =	vld [tilespmem:$0x1C8];
	_ =	sdelay $0x4  }
0x2d5: {  	v60 =	vshll.u32 v3, $0x3  }
0x2d6: {  	v3 =	vand.u32 $0x7, v3;
	v4 =	vand.u32 $0xFFFFFFC0, v60  }
0x2d7: {  	v3 =	vor.u32 v3, v4  }
0x2d8: {  	v4 =	vperm.xlane v3, v0;
	_ =	sdelay $0x1  }
0x2d9: {  	v4 =	vadd.s32 v1, v4;
	_ =	sdelay $0x4  }
0x2da: {  	[tilespmem:s13], [sflag:$0x1] =	stream.indirect_vreg.gather [hbm4b:s1+s3], $0x80, v4, vm0, $0xb8;
	[tilespmem:$0x1C200] =	vst v63  }
0x2db: {  	s31 =	simm.s32 $0xEA00;
	v3 =	vperm.xlane v3, v2  }
0x2dc: {  	[tilespmem:s31], [sflag:$0x1] =	stream.indirect_vreg.gather [hbm4b:s5+s3], $0x80, v4, vm0, $0xb8;
	[tilespmem:$0x1C200] =	vst v63  }
0x2dd: {  	v3 =	vadd.s32 v1, v3  }
0x2de: {  	[tilespmem:s4], [sflag:$0x1] =	stream.indirect_vreg.gather [hbm4b:s6+s3], $0x80, v4, vm0, $0xb8;
	[tilespmem:$0x1C200] =	vst v63  }
0x2df: {  	s28 =	simm.s32 $0xFA00  }
0x2e0: {  	[tilespmem:s28], [sflag:$0x1] =	stream.indirect_vreg.gather [hbm4b:s7+s3], $0x80, v4, vm0, $0xb8;
	[tilespmem:$0x1C200] =	vst v63  }
0x2e1: {  	s29 =	simm.s32 $0x10200  }
0x2e2: {  	[tilespmem:s29], [sflag:$0x1] =	stream.indirect_vreg.gather [hbm4b:s1+s3], $0x80, v3, vm0, $0xb8;
	[tilespmem:$0x1C200] =	vst v63  }
0x2e3: {  	s30 =	simm.s32 $0x10A00  }
0x2e4: {  	[tilespmem:s30], [sflag:$0x1] =	stream.indirect_vreg.gather [hbm4b:s5+s3], $0x80, v3, vm0, $0xb8;
	[tilespmem:$0x1C200] =	vst v63  }
0x2e5: {  	s31 =	simm.s32 $0x11200  }
0x2e6: {  	[tilespmem:s31], [sflag:$0x1] =	stream.indirect_vreg.gather [hbm4b:s6+s3], $0x80, v3, vm0, $0xb8;
	[tilespmem:$0x1C200] =	vst v63  }
0x2e7: {  	s0 =	simm.s32 $0x11A00  }
0x2e8: {  	[tilespmem:s0], [sflag:$0x1] =	stream.indirect_vreg.gather [hbm4b:s7+s3], $0x80, v3, vm0, $0xb8;
	[tilespmem:$0x1C200] =	vst v63  }
0x2e9: {  	v3 =	vld [tilespmem:$0x1D8];
	_ =	sdelay $0x4  }
0x2ea: {  	v61 =	vshll.u32 v3, $0x3  }
0x2eb: {  	v3 =	vand.u32 $0x7, v3;
	v4 =	vand.u32 $0xFFFFFFC0, v61  }
0x2ec: {  	v3 =	vor.u32 v3, v4  }
0x2ed: {  	v4 =	vperm.xlane v3, v0;
	_ =	sdelay $0x1  }
0x2ee: {  	v4 =	vadd.s32 v1, v4;
	_ =	sdelay $0x3  }
0x2ef: {  	s11 =	simm.s32 $0x12200  }
0x2f0: {  	[tilespmem:s11], [sflag:$0x1] =	stream.indirect_vreg.gather [hbm4b:s1+s3], $0x80, v4, vm0, $0xb8;
	[tilespmem:$0x1C200] =	vst v63  }
0x2f1: {  	s14 =	simm.s32 $0x12A00;
	v3 =	vperm.xlane v3, v2  }
0x2f2: {  	[tilespmem:s14], [sflag:$0x1] =	stream.indirect_vreg.gather [hbm4b:s5+s3], $0x80, v4, vm0, $0xb8;
	[tilespmem:$0x1C200] =	vst v63  }
0x2f3: {  	s12 =	simm.s32 $0x13200;
	v3 =	vadd.s32 v1, v3  }
0x2f4: {  	[tilespmem:s12], [sflag:$0x1] =	stream.indirect_vreg.gather [hbm4b:s6+s3], $0x80, v4, vm0, $0xb8;
	[tilespmem:$0x1C200] =	vst v63  }
0x2f5: {  	s14 =	simm.s32 $0x13A00  }
0x2f6: {  	[tilespmem:s14], [sflag:$0x1] =	stream.indirect_vreg.gather [hbm4b:s7+s3], $0x80, v4, vm0, $0xb8;
	[tilespmem:$0x1C200] =	vst v63  }
0x2f7: {  	s16 =	simm.s32 $0x14200  }
0x2f8: {  	[tilespmem:s16], [sflag:$0x1] =	stream.indirect_vreg.gather [hbm4b:s1+s3], $0x80, v3, vm0, $0xb8;
	[tilespmem:$0x1C200] =	vst v63  }
0x2f9: {  	s17 =	simm.s32 $0x14A00  }
0x2fa: {  	[tilespmem:s17], [sflag:$0x1] =	stream.indirect_vreg.gather [hbm4b:s5+s3], $0x80, v3, vm0, $0xb8;
	[tilespmem:$0x1C200] =	vst v63  }
0x2fb: {  	s20 =	simm.s32 $0x15200  }
0x2fc: {  	[tilespmem:s20], [sflag:$0x1] =	stream.indirect_vreg.gather [hbm4b:s6+s3], $0x80, v3, vm0, $0xb8;
	[tilespmem:$0x1C200] =	vst v63  }
0x2fd: {  	s9 =	simm.s32 $0x15A00  }
0x2fe: {  	[tilespmem:s9], [sflag:$0x1] =	stream.indirect_vreg.gather [hbm4b:s7+s3], $0x80, v3, vm0, $0xb8;
	[tilespmem:$0x1C200] =	vst v63  }
0x2ff: {  	v3 =	vld [tilespmem:$0x1E8];
	_ =	sdelay $0x4  }
0x300: {  	v62 =	vshll.u32 v3, $0x3  }
0x301: {  	v3 =	vand.u32 $0x7, v3;
	v4 =	vand.u32 $0xFFFFFFC0, v62  }
0x302: {  	v3 =	vor.u32 v3, v4  }
0x303: {  	v4 =	vperm.xlane v3, v0;
	_ =	sdelay $0x1  }
0x304: {  	v4 =	vadd.s32 v1, v4;
	_ =	sdelay $0x3  }
0x305: {  	s22 =	simm.s32 $0x16200  }
0x306: {  	[tilespmem:s22], [sflag:$0x1] =	stream.indirect_vreg.gather [hbm4b:s1+s3], $0x80, v4, vm0, $0xb8;
	[tilespmem:$0x1C200] =	vst v63  }
0x307: {  	s23 =	simm.s32 $0x16A00;
	v3 =	vperm.xlane v3, v2  }
0x308: {  	[tilespmem:s23], [sflag:$0x1] =	stream.indirect_vreg.gather [hbm4b:s5+s3], $0x80, v4, vm0, $0xb8;
	[tilespmem:$0x1C200] =	vst v63  }
0x309: {  	s21 =	simm.s32 $0x17200;
	v3 =	vadd.s32 v1, v3  }
0x30a: {  	[tilespmem:s21], [sflag:$0x1] =	stream.indirect_vreg.gather [hbm4b:s6+s3], $0x80, v4, vm0, $0xb8;
	[tilespmem:$0x1C200] =	vst v63  }
0x30b: {  	s22 =	simm.s32 $0x17A00  }
0x30c: {  	[tilespmem:s22], [sflag:$0x1] =	stream.indirect_vreg.gather [hbm4b:s7+s3], $0x80, v4, vm0, $0xb8;
	[tilespmem:$0x1C200] =	vst v63  }
0x30d: {  	s23 =	simm.s32 $0x18200  }
0x30e: {  	[tilespmem:s23], [sflag:$0x1] =	stream.indirect_vreg.gather [hbm4b:s1+s3], $0x80, v3, vm0, $0xb8;
	[tilespmem:$0x1C200] =	vst v63  }
0x30f: {  	s26 =	simm.s32 $0x18A00  }
0x310: {  	[tilespmem:s26], [sflag:$0x1] =	stream.indirect_vreg.gather [hbm4b:s5+s3], $0x80, v3, vm0, $0xb8;
	[tilespmem:$0x1C200] =	vst v63  }
0x311: {  	s28 =	simm.s32 $0x19200  }
0x312: {  	[tilespmem:s28], [sflag:$0x1] =	stream.indirect_vreg.gather [hbm4b:s6+s3], $0x80, v3, vm0, $0xb8;
	[tilespmem:$0x1C200] =	vst v63  }
0x313: {  	s10 =	simm.s32 $0x19A00  }
0x314: {  	[tilespmem:s10], [sflag:$0x1] =	stream.indirect_vreg.gather [hbm4b:s7+s3], $0x80, v3, vm0, $0xb8;
	[tilespmem:$0x1C200] =	vst v63  }
0x315: {  	_ =	swait.ge [sflag:s18], $0xE000  }
0x316: {  	[sflag:s18] =	ssyncset.done $0x0  }
0x317: {  	s29 =	rddreg [dreg:$0xc];
	[sflag:s18] =	ssyncadd.s32 $0xFFFF2000  }
0x318: {  	[hbm4b:s29+s3] =	stream.linear.scatter [tilespmem:s2], [sflag:$0x2], $0xE000, $0x38;
	[tilespmem:$0x1C200] =	vst v63  }
0x319: {  	_ =	swait.ge [sflag:s19], $0xE000  }
0x31a: {  	[sflag:s19] =	ssyncset.done $0x0  }
0x31b: {  	[sflag:s19] =	ssyncadd.s32 $0xFFFF2000  }
0x31c: {  	v3 =	vld.msk [tilespmem:$0x1F8], $0xff;
	_ =	sdelay $0x4  }
0x31d: {  	v63 =	vshll.u32 v3, $0x3  }
0x31e: {  	v3 =	vand.u32 $0x7, v3;
	v4 =	vand.u32 $0xFFFFFFC0, v63  }
0x31f: {  	v3 =	vor.u32 v3, v4  }
0x320: {  	v3 =	vperm.xlane v3, v0;
	_ =	sdelay $0x1  }
0x321: {  	v3 =	vadd.s32 v1, v3;
	_ =	sdelay $0x4  }
0x322: {  	[tilespmem:s2], [sflag:$0x1] =	stream.indirect_vreg.gather [hbm4b:s1+s3], $0x80, v3, vm0, $0xb8;
	[tilespmem:$0x1C200] =	vst v63  }
0x323: {  	s15 =	simm.s32 $0xA00  }
0x324: {  	[tilespmem:s15], [sflag:$0x1] =	stream.indirect_vreg.gather [hbm4b:s5+s3], $0x80, v3, vm0, $0xb8;
	[tilespmem:$0x1C200] =	vst v63  }
0x325: {  	s25 =	simm.s32 $0x1200  }
0x326: {  	[tilespmem:s25], [sflag:$0x1] =	stream.indirect_vreg.gather [hbm4b:s6+s3], $0x80, v3, vm0, $0xb8;
	[tilespmem:$0x1C200] =	vst v63  }
0x327: {  	s24 =	simm.s32 $0x1A00  }
0x328: {  	[tilespmem:s24], [sflag:$0x1] =	stream.indirect_vreg.gather [hbm4b:s7+s3], $0x80, v3, vm0, $0xb8;
	[tilespmem:$0x1C200] =	vst v63  }
0x329: {  	_ =	swait.ge [sflag:s18], $0xC000  }
0x32a: {  	[sflag:s18] =	ssyncset.done $0x0  }
0x32b: {  	s30 =	rddreg [dreg:$0xd];
	[sflag:s18] =	ssyncadd.s32 $0xFFFF4000  }
0x32c: {  	[hbm4b:s30+s3] =	stream.linear.scatter [tilespmem:s13], [sflag:$0x2], $0xC000, $0x38;
	[tilespmem:$0x1C200] =	vst v63  }
0x32d: {  	_ =	swait.ge [sflag:s18], $0x2000  }
0x32e: {  	[sflag:s18] =	ssyncset.done $0x0  }
0x32f: {  	s31 =	rddreg [dreg:$0xe];
	[sflag:s18] =	ssyncadd.s32 $0xFFFFE000  }
0x330: {  	[hbm4b:s31+s3] =	stream.linear.scatter [tilespmem:s2], [sflag:$0x2], $0x2000, $0x38;
	[tilespmem:$0x1C200] =	vst v63  }
0x331: {  	p0 =	sne.s32 s8, $0x1;
	_ =	swait.ge [sflag:s19], $0xC000  }
.Ltmp0:
0x332: {  	[sflag:s19] =	ssyncset.done $0x0;
	(pc) =	sbr.rel @p0 .LBB2_1-.Ltmp0, $4  }
0x333: {  	[sflag:s19] =	ssyncadd.s32 $0xFFFF4000  }
0x334: {  	_ =	swait.ge [sflag:s19], $0x2000  }
0x335: {  	[sflag:s19] =	ssyncset.done $0x0  }
0x336: {  	s8 =	sadd.s32 $0xFFFFFFFF, s8;
	[sflag:s19] =	ssyncadd.s32 $0xFFFFE000  }
0x337: {  	_ =	sfence.sel $0x180000  }
0x338: {  	[bflag:$0x0] =	sbarrier.arrive $0xFFFF  }
0x339: {  	_ =	strace $0x90000047  }
0x33a: {  	s0 =	stileid.u32;
	[bflag:$0x2] =	sbarrier.arrive $0xFFFF  }
0x33b: {  	p0 =	sne.s32 s0, $0x0;
	s0 =	rddreg [dreg:$0x3]  }
0x33c: {  	s0 =	sadd.s32 @!p0 $0x100000, s0  }
0x33d: {  	[sflag:s0] =	ssyncadd.tile.s32 @!p0 $0x1;
	_ =	shalt  }
.Lfunc_end2:
_tile_overlayer_lowered:
.L_overlay_start_2:
0x33e: {  	(tag) =	ssettag $0x2  }
0x33f: {  	s0 =	rddreg [dreg:$0x0];
	s2 =	stileid.u32  }
0x340: {  	s1 =	rddreg [dreg:$0x1];
	p0 =	sne.s32 s2, $0x0  }
0x341: {  	s3 =	rddreg [dreg:$0x2];
	[bflag:$0x3] =	sbarrier.arrive $0xFFFF;
	s2 =	simm.s32 @!p0 $0x1C03  }
0x342: {  	[timem:s3], [sflag:s2] =	dma.local @!p0 [hbm:s0], s1  }
0x343: {  	s0 =	simm.s32 @!p0 $0x3  }
0x344: {  	_ =	swait.ge @!p0 [sflag:s0], s1  }
0x345: {  	s1 =	ssub.s32 @!p0 $0x0, s1;
	[sflag:s0] =	ssyncset.done @!p0 $0x0  }
0x346: {  	[sflag:s0] =	ssyncadd.s32 @!p0 s1  }
0x347: {  	[bflag:$0x3] =	sbarrier.arrive $0xFFFF  }
0x348: {  	_ =	shalt  }

</sc_bundles>
